<compile_context>
chip_gen: v7x
topology: tpu7x:2x2x1
jax: 0.10.2.dev20260603
libtpu: 0.0.44.dev20260713+nightly
codegen_flags: <defaults>
</compile_context>

<pallas_src>
import functools

import jax
import jax.numpy as jnp
from jax import lax
from jax.experimental import pallas as pl
from jax.experimental.pallas import tpu as pltpu
from jax.experimental.pallas import tpu_sc as plsc

N = 10000
D = 128
HEADS = 8
OUT = 16
TW = D + 16
NEG = -1e30

NC = 2
NS = 16
NTILES = NC * NS
B = 80

RB = 1000
NG = N // RB
ZR = 632



@functools.partial(jax.jit, static_argnames=())
def _edge_pass(tsrc, tdst, src, dst, mvec):
    E = src.shape[0]
    ept = E // NTILES
    nch = ept // B
    mesh = plsc.VectorSubcoreMesh(
        core_axis_name="c", subcore_axis_name="s", num_cores=NC, num_subcores=NS
    )

    @functools.partial(
        pl.kernel,
        out_type=jax.ShapeDtypeStruct((NC, N, TW), jnp.float32),
        mesh=mesh,
        scratch_types=[
            pltpu.VMEM_SHARED((N, TW), jnp.float32),
            pltpu.VMEM((B,), jnp.int32),
            pltpu.VMEM((B,), jnp.int32),
            pltpu.VMEM((B,), jnp.int32),
            pltpu.VMEM((B,), jnp.int32),
            pltpu.VMEM((B, TW), jnp.float32),
            pltpu.VMEM((B, TW), jnp.float32),
            pltpu.VMEM((B, 16), jnp.float32),
            pltpu.VMEM((B, 16), jnp.float32),
            pltpu.VMEM((B, TW), jnp.float32),
            pltpu.VMEM((16,), jnp.float32),
            pltpu.VMEM((16,), jnp.float32),
            pltpu.VMEM((16,), jnp.float32),
            pltpu.SemaphoreType.DMA,
            pltpu.SemaphoreType.DMA,
        ],
        compiler_params=pltpu.CompilerParams(
            needs_layout_passes=False, use_tc_tiling_on_sc=False
        ),
    )
    def edge_kernel(tsrc_hbm, tdst_hbm, src_hbm, dst_hbm, m_hbm, out_hbm,
                    acc_sh, srcv0, srcv1, dstv0, dstv1, av0, av1, dv0, dv1,
                    rv0, mv, wv, wv1, gsem0, gsem1):
        c = lax.axis_index("c")
        s = lax.axis_index("s")
        tile = c * NS + s

        def zrow(i, _):
            for j in range(TW // 16):
                rv0[i, pl.ds(j * 16, 16)] = jnp.zeros((16,), jnp.float32)
            return 0
        lax.fori_loop(0, B, zrow, 0)

        r0 = s * ZR
        for kk in range(640 // B):
            o = r0 + kk * B

            @pl.when(o + B <= N)
            def _():
                pltpu.sync_copy(rv0, acc_sh.at[pl.ds(o, B)])

        @pl.when(s == NS - 1)
        def _():
            pltpu.sync_copy(rv0.at[pl.ds(0, 40)], acc_sh.at[pl.ds(N - 40, 40)])

        def prefetch(k, srcv, dstv, av, dv, gsem):
            base = tile * ept + k * B
            pltpu.sync_copy(src_hbm.at[pl.ds(base, B)], srcv)
            pltpu.sync_copy(dst_hbm.at[pl.ds(base, B)], dstv)
            pltpu.async_copy(tsrc_hbm.at[srcv], av, gsem)
            pltpu.async_copy(tdst_hbm.at[dstv], dv, gsem)

        def wait_gathers(srcv, dstv, av, dv, gsem):
            pltpu.make_async_copy(tsrc_hbm.at[srcv], av, gsem).wait()
            pltpu.make_async_copy(tdst_hbm.at[dstv], dv, gsem).wait()

        prefetch(0, srcv0, dstv0, av0, dv0, gsem0)

        pltpu.sync_copy(m_hbm, mv)
        plsc.subcore_barrier()

        mreg = mv[...]

        def compute(av, dv, rv):
            def edge2(t, _):
                e0 = 2 * t
                e1 = e0 + 1
                ev0 = av[e0, pl.ds(D, 16)] + dv[e0, :]
                ev1 = av[e1, pl.ds(D, 16)] + dv[e1, :]
                ev0 = jnp.maximum(ev0, ev0 * 0.2)
                ev1 = jnp.maximum(ev1, ev1 * 0.2)
                w0 = jnp.exp(ev0 - mreg)
                w1 = jnp.exp(ev1 - mreg)
                wv[...] = w0
                wv1[...] = w1
                rv[e0, pl.ds(D, 16)] = w0
                rv[e1, pl.ds(D, 16)] = w1
                for h in range(HEADS):
                    idx = jnp.full((16,), 8 + h, jnp.int32)
                    wb0 = plsc.load_gather(wv, [idx])
                    wb1 = plsc.load_gather(wv1, [idx])
                    o = pl.ds(h * OUT, OUT)
                    rv[e0, o] = av[e0, o] * wb0
                    rv[e1, o] = av[e1, o] * wb1
                return 0
            lax.fori_loop(0, B // 2, edge2, 0)


        def pair(i, _):
            k0 = 2 * i
            wait_gathers(srcv0, dstv0, av0, dv0, gsem0)
            prefetch(k0 + 1, srcv1, dstv1, av1, dv1, gsem1)
            compute(av0, dv0, rv0)
            pltpu.sync_copy(rv0, acc_sh.at[dstv0], add=True)

            wait_gathers(srcv1, dstv1, av1, dv1, gsem1)
            prefetch(k0 + 2, srcv0, dstv0, av0, dv0, gsem0)
            compute(av1, dv1, rv0)
            pltpu.sync_copy(rv0, acc_sh.at[dstv1], add=True)
            return 0
        lax.fori_loop(0, (nch - 1) // 2, pair, 0)

        wait_gathers(srcv0, dstv0, av0, dv0, gsem0)
        compute(av0, dv0, rv0)
        pltpu.sync_copy(rv0, acc_sh.at[dstv0], add=True)

        plsc.subcore_barrier()
        for kk in range(8):
            o = r0 + kk * B

            @pl.when(o + B <= N)
            def _():
                pltpu.sync_copy(acc_sh.at[pl.ds(o, B)],
                                out_hbm.at[c, pl.ds(o, B)])

        @pl.when(s == NS - 1)
        def _():
            pltpu.sync_copy(acc_sh.at[pl.ds(N - 40, 40)],
                            out_hbm.at[c, pl.ds(N - 40, 40)])

    return edge_kernel(tsrc, tdst, src, dst, mvec)



def _attn_tables(hh, asrc, adst, k1, tsrc_ref, tdst_ref, m_ref, i):
    rb = hh.shape[0]
    as8 = jnp.dot(hh * asrc, k1, preferred_element_type=jnp.float32)
    ad8 = jnp.dot(hh * adst, k1, preferred_element_type=jnp.float32)
    pad = jnp.full((rb, 8), NEG, jnp.float32)
    tsrc_ref[...] = jnp.concatenate([hh, pad, as8], axis=1)
    tdst_ref[...] = jnp.concatenate([pad, ad8], axis=1)

    @pl.when(i == 0)
    def _():
        m_ref[...] = jnp.full((1, 16), NEG, jnp.float32)
    m_ref[:, 0:8] = jnp.maximum(m_ref[:, 0:8],
                                jnp.max(as8, axis=0, keepdims=True))
    m_ref[:, 8:16] = jnp.maximum(m_ref[:, 8:16],
                                 jnp.max(ad8, axis=0, keepdims=True))

    @pl.when(i == NG - 1)
    def _():
        t = m_ref[:, 0:8] + m_ref[:, 8:16]
        m_ref[:, 8:16] = jnp.maximum(t, t * 0.2)
        m_ref[:, 0:8] = jnp.zeros((1, 8), jnp.float32)


def _pro_body(x_ref, wp_ref, bp_ref, w0_ref, asrc_ref, adst_ref, k1_ref,
              h_ref, tsrc_ref, tdst_ref, m_ref):
    i = pl.program_id(0)
    h = jnp.dot(x_ref[...], wp_ref[...], preferred_element_type=jnp.float32)
    h = h + bp_ref[...]
    h_ref[...] = h
    hh = jnp.dot(h, w0_ref[...], preferred_element_type=jnp.float32)
    _attn_tables(hh, asrc_ref[...], adst_ref[...], k1_ref[...],
                 tsrc_ref, tdst_ref, m_ref, i)


def _norm_block(acc_ref, res_ref, bias_ref, gamma_ref, beta_ref, k8_ref):
    a = acc_ref[0] + acc_ref[1]
    msg = a[:, 0:D]
    den = a[:, D + 8:D + 16]
    denb = jnp.dot(den, k8_ref[...], preferred_element_type=jnp.float32)
    o = msg / (denb + 1e-16)
    h2 = jnp.maximum(o + bias_ref[...], 0.0)
    u = h2 + res_ref[...]
    mu = jnp.mean(u, axis=1, keepdims=True)
    d = u - mu
    var = jnp.mean(d * d, axis=1, keepdims=True)
    return d * lax.rsqrt(var + 1e-5) * gamma_ref[...] + beta_ref[...]


def _mid_body(acc_ref, res_ref, bias_ref, gamma_ref, beta_ref, k8_ref,
              wn_ref, asrc_ref, adst_ref, k1_ref,
              h_ref, tsrc_ref, tdst_ref, m_ref):
    i = pl.program_id(0)
    hn = _norm_block(acc_ref, res_ref, bias_ref, gamma_ref, beta_ref, k8_ref)
    h_ref[...] = hn
    hh = jnp.dot(hn, wn_ref[...], preferred_element_type=jnp.float32)
    _attn_tables(hh, asrc_ref[...], adst_ref[...], k1_ref[...],
                 tsrc_ref, tdst_ref, m_ref, i)


def _epi_body(acc_ref, res_ref, bias_ref, gamma_ref, beta_ref, k8_ref, h_ref):
    h_ref[...] = _norm_block(acc_ref, res_ref, bias_ref, gamma_ref, beta_ref,
                             k8_ref)


def _row_spec(w):
    return pl.BlockSpec((RB, w), lambda i: (i, 0))


def _full_spec(shape):
    nd = len(shape)
    return pl.BlockSpec(shape, lambda i: (0,) * nd)


_OUT_SPECS_TBL = [
    _row_spec(D),
    _row_spec(TW),
    _row_spec(16),
    pl.BlockSpec((1, 16), lambda i: (0, 0)),
]

_OUT_SHAPES_TBL = [
    jax.ShapeDtypeStruct((N, D), jnp.float32),
    jax.ShapeDtypeStruct((N, TW), jnp.float32),
    jax.ShapeDtypeStruct((N, 16), jnp.float32),
    jax.ShapeDtypeStruct((1, 16), jnp.float32),
]


def _tc_pro(x, Wp, bp, W0, asrc, adst, k1):
    return pl.pallas_call(
        _pro_body,
        grid=(NG,),
        in_specs=[
            _row_spec(D),
            _full_spec((D, D)),
            _full_spec((1, D)),
            _full_spec((D, D)),
            _full_spec((1, D)),
            _full_spec((1, D)),
            _full_spec((D, HEADS)),
        ],
        out_specs=_OUT_SPECS_TBL,
        out_shape=_OUT_SHAPES_TBL,
    )(x, Wp, bp, W0, asrc, adst, k1)


def _tc_mid(acc, res, bias, gamma, beta, k8, Wn, asrc, adst, k1):
    return pl.pallas_call(
        _mid_body,
        grid=(NG,),
        in_specs=[
            pl.BlockSpec((NC, RB, TW), lambda i: (0, i, 0)),
            _row_spec(D),
            _full_spec((1, D)),
            _full_spec((1, D)),
            _full_spec((1, D)),
            _full_spec((HEADS, D)),
            _full_spec((D, D)),
            _full_spec((1, D)),
            _full_spec((1, D)),
            _full_spec((D, HEADS)),
        ],
        out_specs=_OUT_SPECS_TBL,
        out_shape=_OUT_SHAPES_TBL,
    )(acc, res, bias, gamma, beta, k8, Wn, asrc, adst, k1)


def _tc_epi(acc, res, bias, gamma, beta, k8):
    return pl.pallas_call(
        _epi_body,
        grid=(NG,),
        in_specs=[
            pl.BlockSpec((NC, RB, TW), lambda i: (0, i, 0)),
            _row_spec(D),
            _full_spec((1, D)),
            _full_spec((1, D)),
            _full_spec((1, D)),
            _full_spec((HEADS, D)),
        ],
        out_specs=_row_spec(D),
        out_shape=jax.ShapeDtypeStruct((N, D), jnp.float32),
    )(acc, res, bias, gamma, beta, k8)



def kernel(x, edge_index, node_types, Wp, bp, Ws, att_src, att_dst, biases,
           gammas, betas):
    src = edge_index[0]
    dst = edge_index[1]

    head_of = jnp.arange(D, dtype=jnp.int32) // OUT
    k8 = (head_of[None, :] == jnp.arange(HEADS, dtype=jnp.int32)[:, None])
    k8 = k8.astype(jnp.float32)
    k1 = k8.T

    h, tsrc, tdst, m = _tc_pro(
        x, Wp, bp.reshape(1, D), Ws[0],
        att_src[0].reshape(1, D), att_dst[0].reshape(1, D), k1)

    for l in range(3):
        acc = _edge_pass(tsrc, tdst, src, dst, m.reshape(16))
        if l < 2:
            h, tsrc, tdst, m = _tc_mid(
                acc, h, biases[l].reshape(1, D), gammas[l].reshape(1, D),
                betas[l].reshape(1, D), k8, Ws[l + 1],
                att_src[l + 1].reshape(1, D), att_dst[l + 1].reshape(1, D), k1)
        else:
            h = _tc_epi(acc, h, biases[l].reshape(1, D),
                        gammas[l].reshape(1, D), betas[l].reshape(1, D), k8)
    return h

# --- scband reference (transcript-rebuilt; emitter-appended) ---
"""Pipeline reference for scband-graph-encoder-10385230922209 (READ-ONLY COPY).

The authoritative reference and input builder live on the scoring server;
editing this copy changes nothing except your own understanding.
"""

import jax, jax.numpy as jnp
import numpy as np

N = 10000
E = 320000
D_IN = 128
HID = 128
HEADS = 8
OUT = HID // HEADS
L = 3


def setup_inputs(seed: int = 0) -> dict:
    key = jax.random.key(seed)
    ks = jax.random.split(key, 10)
    x = jax.random.normal(ks[0], (N, D_IN), dtype=jnp.float32)
    edge_index = jax.random.randint(ks[1], (2, E), 0, N, dtype=jnp.int32)
    node_types = jax.random.randint(ks[2], (N,), 0, 8, dtype=jnp.int32)
    Wp = jax.random.normal(ks[3], (D_IN, HID), dtype=jnp.float32) * 0.05
    bp = jnp.zeros((HID,), jnp.float32)
    Ws = jax.random.normal(ks[4], (L, HID, HID), dtype=jnp.float32) * 0.05
    att_src = jax.random.normal(ks[5], (L, HEADS, OUT), dtype=jnp.float32) * 0.05
    att_dst = jax.random.normal(ks[6], (L, HEADS, OUT), dtype=jnp.float32) * 0.05
    biases = jnp.zeros((L, HID), jnp.float32)
    gammas = jnp.ones((L, HID), jnp.float32)
    betas = jnp.zeros((L, HID), jnp.float32)
    return {"x": x, "edge_index": edge_index, "node_types": node_types,
            "Wp": Wp, "bp": bp, "Ws": Ws, "att_src": att_src, "att_dst": att_dst,
            "biases": biases, "gammas": gammas, "betas": betas}


def _layer_norm(h, g, b):
    mu = jnp.mean(h, axis=-1, keepdims=True)
    var = jnp.var(h, axis=-1, keepdims=True)
    return (h - mu) / jnp.sqrt(var + 1e-5) * g + b


def _gat_conv(h, W, a_src, a_dst, bias, src, dst):
    # PyG-style GATConv: linear -> per-head additive attention -> segment softmax over dst
    hh = (h @ W).reshape(N, HEADS, OUT)
    alpha_src = jnp.sum(hh * a_src[None, :, :], axis=-1)  # [N, HEADS]
    alpha_dst = jnp.sum(hh * a_dst[None, :, :], axis=-1)  # [N, HEADS]
    e = jax.nn.leaky_relu(alpha_src[src] + alpha_dst[dst], negative_slope=0.2)  # [E, HEADS]
    e_max = jax.ops.segment_max(e, dst, num_segments=N)
    e_max = jnp.where(jnp.isfinite(e_max), e_max, 0.0)
    e_max = jax.lax.stop_gradient(e_max)
    e_exp = jnp.exp(e - e_max[dst])
    denom = jax.ops.segment_sum(e_exp, dst, num_segments=N)
    alpha = e_exp / (denom[dst] + 1e-16)  # [E, HEADS]
    msg = hh[src] * alpha[:, :, None]  # [E, HEADS, OUT]
    out = jax.ops.segment_sum(msg, dst, num_segments=N)  # [N, HEADS, OUT]
    return out.reshape(N, HEADS * OUT) + bias


def reference(x, edge_index, node_types, Wp, bp, Ws, att_src, att_dst, biases, gammas, betas):
    src = edge_index[0]
    dst = edge_index[1]
    h = x @ Wp + bp
    for l in range(L):
        res = h
        h2 = _gat_conv(h, Ws[l], att_src[l], att_dst[l], biases[l], src, dst)
        h2 = jax.nn.relu(h2)
        h = _layer_norm(h2 + res, gammas[l], betas[l])
    return h

if __name__ == "__main__":
    import jax
    _d = setup_inputs()
    print(jax.jit(kernel)(*tuple(_d.values())))

</pallas_src>

<mosaic_0001>
#map = affine_map<(d0, d1) -> (0, 0)>
#map1 = affine_map<(d0, d1) -> (0)>
#map2 = affine_map<(d0, d1) -> (0, 0, 0)>
module attributes {stable_mosaic.version = 14 : i64} {
  func.func @edge_kernel(%arg0: i32, %arg1: i32, %arg2: memref<10000x144xf32, #tpu.memory_space<hbm>>, %arg3: memref<10000x16xf32, #tpu.memory_space<hbm>>, %arg4: memref<320000xi32, #tpu.memory_space<hbm>>, %arg5: memref<320000xi32, #tpu.memory_space<hbm>>, %arg6: memref<16xf32, #tpu.memory_space<hbm>>, %arg7: memref<2x10000x144xf32, #tpu.memory_space<hbm>>, %arg8: memref<10000x144xf32, #tpu.memory_space<vmem_shared>>, %arg9: memref<80xi32, #tpu.memory_space<vmem>>, %arg10: memref<80xi32, #tpu.memory_space<vmem>>, %arg11: memref<80xi32, #tpu.memory_space<vmem>>, %arg12: memref<80xi32, #tpu.memory_space<vmem>>, %arg13: memref<80x144xf32, #tpu.memory_space<vmem>>, %arg14: memref<80x144xf32, #tpu.memory_space<vmem>>, %arg15: memref<80x16xf32, #tpu.memory_space<vmem>>, %arg16: memref<80x16xf32, #tpu.memory_space<vmem>>, %arg17: memref<80x144xf32, #tpu.memory_space<vmem>>, %arg18: memref<16xf32, #tpu.memory_space<vmem>>, %arg19: memref<16xf32, #tpu.memory_space<vmem>>, %arg20: memref<16xf32, #tpu.memory_space<vmem>>, %arg21: memref<!tpu.dma_semaphore, #tpu.memory_space<semaphore_mem>>, %arg22: memref<!tpu.dma_semaphore, #tpu.memory_space<semaphore_mem>>) attributes {dimension_semantics = [#tpu.dimension_semantics<core_parallel>, #tpu.dimension_semantics<subcore_parallel>], iteration_bounds = array<i64: 2, 16>, scalar_prefetch = 0 : i64, scratch_operands = 15 : i64, tpu.core_type = #tpu.core_type<sc_vector_subcore>, window_params = [{transform_indices = #map}, {transform_indices = #map}, {transform_indices = #map1}, {transform_indices = #map1}, {transform_indices = #map1}, {transform_indices = #map2}]} {
    %mul3A = arith.constant 16 : i32
    %mul3A_0 = arith.muli %arg0, %mul3A : i32
    %add3A = arith.addi %mul3A_0, %arg1 : i32
    %scan3A = arith.constant 0 : i32
    %scan3A_1 = arith.constant 0 : i32
    %scan3A_2 = arith.constant 80 : i32
    %scan3A_3 = arith.addi %scan3A_1, %scan3A_2 : i32
    %scan3A_4 = arith.constant 1 : i32
    %scan3A_5 = scf.for %scan3A_189 = %scan3A_1 to %scan3A_3 step %scan3A_4 iter_args(%scan3A_190 = %scan3A) -> (i32)  : i32 {
      %broadcast_in_dim3A = arith.constant 0.000000e+00 : f32
      %broadcast_in_dim3A_191 = vector.broadcast %broadcast_in_dim3A : f32 to vector<16xf32>
      %swap3A = arith.index_cast %scan3A_189 : i32 to index
      %swap3A_192 = arith.constant 0 : index
      %swap3A_193 = tpu.vector_load %arg17[%swap3A, %swap3A_192] {strides = array<i32>} : memref<80x144xf32, #tpu.memory_space<vmem>>, vector<16xf32>,
      tpu.vector_store %arg17[%swap3A, %swap3A_192], %broadcast_in_dim3A_191 {strides = array<i32>} : memref<80x144xf32, #tpu.memory_space<vmem>>, vector<16xf32>,
      %broadcast_in_dim3A_194 = arith.constant 0.000000e+00 : f32
      %broadcast_in_dim3A_195 = vector.broadcast %broadcast_in_dim3A_194 : f32 to vector<16xf32>
      %swap3A_196 = arith.index_cast %scan3A_189 : i32 to index
      %swap3A_197 = arith.constant 16 : index
      %swap3A_198 = tpu.vector_load %arg17[%swap3A_196, %swap3A_197] {strides = array<i32>} : memref<80x144xf32, #tpu.memory_space<vmem>>, vector<16xf32>,
      tpu.vector_store %arg17[%swap3A_196, %swap3A_197], %broadcast_in_dim3A_195 {strides = array<i32>} : memref<80x144xf32, #tpu.memory_space<vmem>>, vector<16xf32>,
      %broadcast_in_dim3A_199 = arith.constant 0.000000e+00 : f32
      %broadcast_in_dim3A_200 = vector.broadcast %broadcast_in_dim3A_199 : f32 to vector<16xf32>
      %swap3A_201 = arith.index_cast %scan3A_189 : i32 to index
      %swap3A_202 = arith.constant 32 : index
      %swap3A_203 = tpu.vector_load %arg17[%swap3A_201, %swap3A_202] {strides = array<i32>} : memref<80x144xf32, #tpu.memory_space<vmem>>, vector<16xf32>,
      tpu.vector_store %arg17[%swap3A_201, %swap3A_202], %broadcast_in_dim3A_200 {strides = array<i32>} : memref<80x144xf32, #tpu.memory_space<vmem>>, vector<16xf32>,
      %broadcast_in_dim3A_204 = arith.constant 0.000000e+00 : f32
      %broadcast_in_dim3A_205 = vector.broadcast %broadcast_in_dim3A_204 : f32 to vector<16xf32>
      %swap3A_206 = arith.index_cast %scan3A_189 : i32 to index
      %swap3A_207 = arith.constant 48 : index
      %swap3A_208 = tpu.vector_load %arg17[%swap3A_206, %swap3A_207] {strides = array<i32>} : memref<80x144xf32, #tpu.memory_space<vmem>>, vector<16xf32>,
      tpu.vector_store %arg17[%swap3A_206, %swap3A_207], %broadcast_in_dim3A_205 {strides = array<i32>} : memref<80x144xf32, #tpu.memory_space<vmem>>, vector<16xf32>,
      %broadcast_in_dim3A_209 = arith.constant 0.000000e+00 : f32
      %broadcast_in_dim3A_210 = vector.broadcast %broadcast_in_dim3A_209 : f32 to vector<16xf32>
      %swap3A_211 = arith.index_cast %scan3A_189 : i32 to index
      %swap3A_212 = arith.constant 64 : index
      %swap3A_213 = tpu.vector_load %arg17[%swap3A_211, %swap3A_212] {strides = array<i32>} : memref<80x144xf32, #tpu.memory_space<vmem>>, vector<16xf32>,
      tpu.vector_store %arg17[%swap3A_211, %swap3A_212], %broadcast_in_dim3A_210 {strides = array<i32>} : memref<80x144xf32, #tpu.memory_space<vmem>>, vector<16xf32>,
      %broadcast_in_dim3A_214 = arith.constant 0.000000e+00 : f32
      %broadcast_in_dim3A_215 = vector.broadcast %broadcast_in_dim3A_214 : f32 to vector<16xf32>
      %swap3A_216 = arith.index_cast %scan3A_189 : i32 to index
      %swap3A_217 = arith.constant 80 : index
      %swap3A_218 = tpu.vector_load %arg17[%swap3A_216, %swap3A_217] {strides = array<i32>} : memref<80x144xf32, #tpu.memory_space<vmem>>, vector<16xf32>,
      tpu.vector_store %arg17[%swap3A_216, %swap3A_217], %broadcast_in_dim3A_215 {strides = array<i32>} : memref<80x144xf32, #tpu.memory_space<vmem>>, vector<16xf32>,
      %broadcast_in_dim3A_219 = arith.constant 0.000000e+00 : f32
      %broadcast_in_dim3A_220 = vector.broadcast %broadcast_in_dim3A_219 : f32 to vector<16xf32>
      %swap3A_221 = arith.index_cast %scan3A_189 : i32 to index
      %swap3A_222 = arith.constant 96 : index
      %swap3A_223 = tpu.vector_load %arg17[%swap3A_221, %swap3A_222] {strides = array<i32>} : memref<80x144xf32, #tpu.memory_space<vmem>>, vector<16xf32>,
      tpu.vector_store %arg17[%swap3A_221, %swap3A_222], %broadcast_in_dim3A_220 {strides = array<i32>} : memref<80x144xf32, #tpu.memory_space<vmem>>, vector<16xf32>,
      %broadcast_in_dim3A_224 = arith.constant 0.000000e+00 : f32
      %broadcast_in_dim3A_225 = vector.broadcast %broadcast_in_dim3A_224 : f32 to vector<16xf32>
      %swap3A_226 = arith.index_cast %scan3A_189 : i32 to index
      %swap3A_227 = arith.constant 112 : index
      %swap3A_228 = tpu.vector_load %arg17[%swap3A_226, %swap3A_227] {strides = array<i32>} : memref<80x144xf32, #tpu.memory_space<vmem>>, vector<16xf32>,
      tpu.vector_store %arg17[%swap3A_226, %swap3A_227], %broadcast_in_dim3A_225 {strides = array<i32>} : memref<80x144xf32, #tpu.memory_space<vmem>>, vector<16xf32>,
      %broadcast_in_dim3A_229 = arith.constant 0.000000e+00 : f32
      %broadcast_in_dim3A_230 = vector.broadcast %broadcast_in_dim3A_229 : f32 to vector<16xf32>
      %swap3A_231 = arith.index_cast %scan3A_189 : i32 to index
      %swap3A_232 = arith.constant 128 : index
      %swap3A_233 = tpu.vector_load %arg17[%swap3A_231, %swap3A_232] {strides = array<i32>} : memref<80x144xf32, #tpu.memory_space<vmem>>, vector<16xf32>,
      tpu.vector_store %arg17[%swap3A_231, %swap3A_232], %broadcast_in_dim3A_230 {strides = array<i32>} : memref<80x144xf32, #tpu.memory_space<vmem>>, vector<16xf32>,
      %scan3A_234 = arith.constant 0 : i32
      scf.yield %scan3A_234 : i32
    }
    %scan3A_6 = arith.constant 80 : i32
    %mul3A_7 = arith.constant 632 : i32
    %mul3A_8 = arith.muli %arg1, %mul3A_7 : i32
    %add3A_9 = arith.constant 0 : i32
    %add3A_10 = arith.addi %mul3A_8, %add3A_9 : i32
    %add3A_11 = arith.constant 80 : i32
    %add3A_12 = arith.addi %add3A_10, %add3A_11 : i32
    %le3A = arith.constant 10000 : i32
    %le3A_13 = arith.cmpi sle, %add3A_12, %le3A : i32
    %convert_element_type3A = arith.extui %le3A_13 : i1 to i32
    %cond3A = arith.constant 0 : i32
    %cond3A_14 = arith.cmpi ne, %convert_element_type3A, %cond3A : i32
    scf.if %cond3A_14 {
      "tpu.region"() ({
        %run_scoped3A = tpu.sem_alloc : memref<!tpu.dma_semaphore, #tpu.memory_space<semaphore_mem>>
        %dma_start3A_189 = arith.constant 0 : i32
        %dma_start3A_190 = tpu.memref_slice %arg8[%add3A_10, %dma_start3A_189] : memref<10000x144xf32, #tpu.memory_space<vmem_shared>> -> memref<80x144xf32, #tpu.memory_space<vmem_shared>>
        %dma_start3A_191 = arith.constant 0 : i32
        %dma_start3A_192 = tpu.memref_slice %arg8[%add3A_10, %dma_start3A_191] : memref<10000x144xf32, #tpu.memory_space<vmem_shared>> -> memref<80x144xf32, #tpu.memory_space<vmem_shared>>
        tpu.enqueue_dma source(%arg17 : memref<80x144xf32, #tpu.memory_space<vmem>>) target(%dma_start3A_192 : memref<80x144xf32, #tpu.memory_space<vmem_shared>>) target_semaphore(%run_scoped3A : memref<!tpu.dma_semaphore, #tpu.memory_space<semaphore_mem>>)
        %dma_wait3A_193 = arith.constant 0 : i32
        %dma_wait3A_194 = tpu.memref_slice %arg8[%add3A_10, %dma_wait3A_193] : memref<10000x144xf32, #tpu.memory_space<vmem_shared>> -> memref<80x144xf32, #tpu.memory_space<vmem_shared>>
        %dma_wait3A_195 = arith.constant 0 : i32
        %dma_wait3A_196 = tpu.memref_slice %arg8[%add3A_10, %dma_wait3A_195] : memref<10000x144xf32, #tpu.memory_space<vmem_shared>> -> memref<80x144xf32, #tpu.memory_space<vmem_shared>>
        tpu.wait_dma2 semaphore(%run_scoped3A : memref<!tpu.dma_semaphore, #tpu.memory_space<semaphore_mem>>) src(%arg17 : memref<80x144xf32, #tpu.memory_space<vmem>>) dst(%dma_wait3A_196 : memref<80x144xf32, #tpu.memory_space<vmem_shared>>)
        tpu.yield
      }) : () -> ()
    } else {
    }
    %add3A_15 = arith.constant 80 : i32
    %add3A_16 = arith.addi %mul3A_8, %add3A_15 : i32
    %add3A_17 = arith.constant 80 : i32
    %add3A_18 = arith.addi %add3A_16, %add3A_17 : i32
    %le3A_19 = arith.constant 10000 : i32
    %le3A_20 = arith.cmpi sle, %add3A_18, %le3A_19 : i32
    %convert_element_type3A_21 = arith.extui %le3A_20 : i1 to i32
    %cond3A_22 = arith.constant 0 : i32
    %cond3A_23 = arith.cmpi ne, %convert_element_type3A_21, %cond3A_22 : i32
    scf.if %cond3A_23 {
      "tpu.region"() ({
        %run_scoped3A = tpu.sem_alloc : memref<!tpu.dma_semaphore, #tpu.memory_space<semaphore_mem>>
        %dma_start3A_189 = arith.constant 0 : i32
        %dma_start3A_190 = tpu.memref_slice %arg8[%add3A_16, %dma_start3A_189] : memref<10000x144xf32, #tpu.memory_space<vmem_shared>> -> memref<80x144xf32, #tpu.memory_space<vmem_shared>>
        %dma_start3A_191 = arith.constant 0 : i32
        %dma_start3A_192 = tpu.memref_slice %arg8[%add3A_16, %dma_start3A_191] : memref<10000x144xf32, #tpu.memory_space<vmem_shared>> -> memref<80x144xf32, #tpu.memory_space<vmem_shared>>
        tpu.enqueue_dma source(%arg17 : memref<80x144xf32, #tpu.memory_space<vmem>>) target(%dma_start3A_192 : memref<80x144xf32, #tpu.memory_space<vmem_shared>>) target_semaphore(%run_scoped3A : memref<!tpu.dma_semaphore, #tpu.memory_space<semaphore_mem>>)
        %dma_wait3A_193 = arith.constant 0 : i32
        %dma_wait3A_194 = tpu.memref_slice %arg8[%add3A_16, %dma_wait3A_193] : memref<10000x144xf32, #tpu.memory_space<vmem_shared>> -> memref<80x144xf32, #tpu.memory_space<vmem_shared>>
        %dma_wait3A_195 = arith.constant 0 : i32
        %dma_wait3A_196 = tpu.memref_slice %arg8[%add3A_16, %dma_wait3A_195] : memref<10000x144xf32, #tpu.memory_space<vmem_shared>> -> memref<80x144xf32, #tpu.memory_space<vmem_shared>>
        tpu.wait_dma2 semaphore(%run_scoped3A : memref<!tpu.dma_semaphore, #tpu.memory_space<semaphore_mem>>) src(%arg17 : memref<80x144xf32, #tpu.memory_space<vmem>>) dst(%dma_wait3A_196 : memref<80x144xf32, #tpu.memory_space<vmem_shared>>)
        tpu.yield
      }) : () -> ()
    } else {
    }
    %add3A_24 = arith.constant 160 : i32
    %add3A_25 = arith.addi %mul3A_8, %add3A_24 : i32
    %add3A_26 = arith.constant 80 : i32
    %add3A_27 = arith.addi %add3A_25, %add3A_26 : i32
    %le3A_28 = arith.constant 10000 : i32
    %le3A_29 = arith.cmpi sle, %add3A_27, %le3A_28 : i32
    %convert_element_type3A_30 = arith.extui %le3A_29 : i1 to i32
    %cond3A_31 = arith.constant 0 : i32
    %cond3A_32 = arith.cmpi ne, %convert_element_type3A_30, %cond3A_31 : i32
    scf.if %cond3A_32 {
      "tpu.region"() ({
        %run_scoped3A = tpu.sem_alloc : memref<!tpu.dma_semaphore, #tpu.memory_space<semaphore_mem>>
        %dma_start3A_189 = arith.constant 0 : i32
        %dma_start3A_190 = tpu.memref_slice %arg8[%add3A_25, %dma_start3A_189] : memref<10000x144xf32, #tpu.memory_space<vmem_shared>> -> memref<80x144xf32, #tpu.memory_space<vmem_shared>>
        %dma_start3A_191 = arith.constant 0 : i32
        %dma_start3A_192 = tpu.memref_slice %arg8[%add3A_25, %dma_start3A_191] : memref<10000x144xf32, #tpu.memory_space<vmem_shared>> -> memref<80x144xf32, #tpu.memory_space<vmem_shared>>
        tpu.enqueue_dma source(%arg17 : memref<80x144xf32, #tpu.memory_space<vmem>>) target(%dma_start3A_192 : memref<80x144xf32, #tpu.memory_space<vmem_shared>>) target_semaphore(%run_scoped3A : memref<!tpu.dma_semaphore, #tpu.memory_space<semaphore_mem>>)
        %dma_wait3A_193 = arith.constant 0 : i32
        %dma_wait3A_194 = tpu.memref_slice %arg8[%add3A_25, %dma_wait3A_193] : memref<10000x144xf32, #tpu.memory_space<vmem_shared>> -> memref<80x144xf32, #tpu.memory_space<vmem_shared>>
        %dma_wait3A_195 = arith.constant 0 : i32
        %dma_wait3A_196 = tpu.memref_slice %arg8[%add3A_25, %dma_wait3A_195] : memref<10000x144xf32, #tpu.memory_space<vmem_shared>> -> memref<80x144xf32, #tpu.memory_space<vmem_shared>>
        tpu.wait_dma2 semaphore(%run_scoped3A : memref<!tpu.dma_semaphore, #tpu.memory_space<semaphore_mem>>) src(%arg17 : memref<80x144xf32, #tpu.memory_space<vmem>>) dst(%dma_wait3A_196 : memref<80x144xf32, #tpu.memory_space<vmem_shared>>)
        tpu.yield
      }) : () -> ()
    } else {
    }
    %add3A_33 = arith.constant 240 : i32
    %add3A_34 = arith.addi %mul3A_8, %add3A_33 : i32
    %add3A_35 = arith.constant 80 : i32
    %add3A_36 = arith.addi %add3A_34, %add3A_35 : i32
    %le3A_37 = arith.constant 10000 : i32
    %le3A_38 = arith.cmpi sle, %add3A_36, %le3A_37 : i32
    %convert_element_type3A_39 = arith.extui %le3A_38 : i1 to i32
    %cond3A_40 = arith.constant 0 : i32
    %cond3A_41 = arith.cmpi ne, %convert_element_type3A_39, %cond3A_40 : i32
    scf.if %cond3A_41 {
      "tpu.region"() ({
        %run_scoped3A = tpu.sem_alloc : memref<!tpu.dma_semaphore, #tpu.memory_space<semaphore_mem>>
        %dma_start3A_189 = arith.constant 0 : i32
        %dma_start3A_190 = tpu.memref_slice %arg8[%add3A_34, %dma_start3A_189] : memref<10000x144xf32, #tpu.memory_space<vmem_shared>> -> memref<80x144xf32, #tpu.memory_space<vmem_shared>>
        %dma_start3A_191 = arith.constant 0 : i32
        %dma_start3A_192 = tpu.memref_slice %arg8[%add3A_34, %dma_start3A_191] : memref<10000x144xf32, #tpu.memory_space<vmem_shared>> -> memref<80x144xf32, #tpu.memory_space<vmem_shared>>
        tpu.enqueue_dma source(%arg17 : memref<80x144xf32, #tpu.memory_space<vmem>>) target(%dma_start3A_192 : memref<80x144xf32, #tpu.memory_space<vmem_shared>>) target_semaphore(%run_scoped3A : memref<!tpu.dma_semaphore, #tpu.memory_space<semaphore_mem>>)
        %dma_wait3A_193 = arith.constant 0 : i32
        %dma_wait3A_194 = tpu.memref_slice %arg8[%add3A_34, %dma_wait3A_193] : memref<10000x144xf32, #tpu.memory_space<vmem_shared>> -> memref<80x144xf32, #tpu.memory_space<vmem_shared>>
        %dma_wait3A_195 = arith.constant 0 : i32
        %dma_wait3A_196 = tpu.memref_slice %arg8[%add3A_34, %dma_wait3A_195] : memref<10000x144xf32, #tpu.memory_space<vmem_shared>> -> memref<80x144xf32, #tpu.memory_space<vmem_shared>>
        tpu.wait_dma2 semaphore(%run_scoped3A : memref<!tpu.dma_semaphore, #tpu.memory_space<semaphore_mem>>) src(%arg17 : memref<80x144xf32, #tpu.memory_space<vmem>>) dst(%dma_wait3A_196 : memref<80x144xf32, #tpu.memory_space<vmem_shared>>)
        tpu.yield
      }) : () -> ()
    } else {
    }
    %add3A_42 = arith.constant 320 : i32
    %add3A_43 = arith.addi %mul3A_8, %add3A_42 : i32
    %add3A_44 = arith.constant 80 : i32
    %add3A_45 = arith.addi %add3A_43, %add3A_44 : i32
    %le3A_46 = arith.constant 10000 : i32
    %le3A_47 = arith.cmpi sle, %add3A_45, %le3A_46 : i32
    %convert_element_type3A_48 = arith.extui %le3A_47 : i1 to i32
    %cond3A_49 = arith.constant 0 : i32
    %cond3A_50 = arith.cmpi ne, %convert_element_type3A_48, %cond3A_49 : i32
    scf.if %cond3A_50 {
      "tpu.region"() ({
        %run_scoped3A = tpu.sem_alloc : memref<!tpu.dma_semaphore, #tpu.memory_space<semaphore_mem>>
        %dma_start3A_189 = arith.constant 0 : i32
        %dma_start3A_190 = tpu.memref_slice %arg8[%add3A_43, %dma_start3A_189] : memref<10000x144xf32, #tpu.memory_space<vmem_shared>> -> memref<80x144xf32, #tpu.memory_space<vmem_shared>>
        %dma_start3A_191 = arith.constant 0 : i32
        %dma_start3A_192 = tpu.memref_slice %arg8[%add3A_43, %dma_start3A_191] : memref<10000x144xf32, #tpu.memory_space<vmem_shared>> -> memref<80x144xf32, #tpu.memory_space<vmem_shared>>
        tpu.enqueue_dma source(%arg17 : memref<80x144xf32, #tpu.memory_space<vmem>>) target(%dma_start3A_192 : memref<80x144xf32, #tpu.memory_space<vmem_shared>>) target_semaphore(%run_scoped3A : memref<!tpu.dma_semaphore, #tpu.memory_space<semaphore_mem>>)
        %dma_wait3A_193 = arith.constant 0 : i32
        %dma_wait3A_194 = tpu.memref_slice %arg8[%add3A_43, %dma_wait3A_193] : memref<10000x144xf32, #tpu.memory_space<vmem_shared>> -> memref<80x144xf32, #tpu.memory_space<vmem_shared>>
        %dma_wait3A_195 = arith.constant 0 : i32
        %dma_wait3A_196 = tpu.memref_slice %arg8[%add3A_43, %dma_wait3A_195] : memref<10000x144xf32, #tpu.memory_space<vmem_shared>> -> memref<80x144xf32, #tpu.memory_space<vmem_shared>>
        tpu.wait_dma2 semaphore(%run_scoped3A : memref<!tpu.dma_semaphore, #tpu.memory_space<semaphore_mem>>) src(%arg17 : memref<80x144xf32, #tpu.memory_space<vmem>>) dst(%dma_wait3A_196 : memref<80x144xf32, #tpu.memory_space<vmem_shared>>)
        tpu.yield
      }) : () -> ()
    } else {
    }
    %add3A_51 = arith.constant 400 : i32
    %add3A_52 = arith.addi %mul3A_8, %add3A_51 : i32
    %add3A_53 = arith.constant 80 : i32
    %add3A_54 = arith.addi %add3A_52, %add3A_53 : i32
    %le3A_55 = arith.constant 10000 : i32
    %le3A_56 = arith.cmpi sle, %add3A_54, %le3A_55 : i32
    %convert_element_type3A_57 = arith.extui %le3A_56 : i1 to i32
    %cond3A_58 = arith.constant 0 : i32
    %cond3A_59 = arith.cmpi ne, %convert_element_type3A_57, %cond3A_58 : i32
    scf.if %cond3A_59 {
      "tpu.region"() ({
        %run_scoped3A = tpu.sem_alloc : memref<!tpu.dma_semaphore, #tpu.memory_space<semaphore_mem>>
        %dma_start3A_189 = arith.constant 0 : i32
        %dma_start3A_190 = tpu.memref_slice %arg8[%add3A_52, %dma_start3A_189] : memref<10000x144xf32, #tpu.memory_space<vmem_shared>> -> memref<80x144xf32, #tpu.memory_space<vmem_shared>>
        %dma_start3A_191 = arith.constant 0 : i32
        %dma_start3A_192 = tpu.memref_slice %arg8[%add3A_52, %dma_start3A_191] : memref<10000x144xf32, #tpu.memory_space<vmem_shared>> -> memref<80x144xf32, #tpu.memory_space<vmem_shared>>
        tpu.enqueue_dma source(%arg17 : memref<80x144xf32, #tpu.memory_space<vmem>>) target(%dma_start3A_192 : memref<80x144xf32, #tpu.memory_space<vmem_shared>>) target_semaphore(%run_scoped3A : memref<!tpu.dma_semaphore, #tpu.memory_space<semaphore_mem>>)
        %dma_wait3A_193 = arith.constant 0 : i32
        %dma_wait3A_194 = tpu.memref_slice %arg8[%add3A_52, %dma_wait3A_193] : memref<10000x144xf32, #tpu.memory_space<vmem_shared>> -> memref<80x144xf32, #tpu.memory_space<vmem_shared>>
        %dma_wait3A_195 = arith.constant 0 : i32
        %dma_wait3A_196 = tpu.memref_slice %arg8[%add3A_52, %dma_wait3A_195] : memref<10000x144xf32, #tpu.memory_space<vmem_shared>> -> memref<80x144xf32, #tpu.memory_space<vmem_shared>>
        tpu.wait_dma2 semaphore(%run_scoped3A : memref<!tpu.dma_semaphore, #tpu.memory_space<semaphore_mem>>) src(%arg17 : memref<80x144xf32, #tpu.memory_space<vmem>>) dst(%dma_wait3A_196 : memref<80x144xf32, #tpu.memory_space<vmem_shared>>)
        tpu.yield
      }) : () -> ()
    } else {
    }
    %add3A_60 = arith.constant 480 : i32
    %add3A_61 = arith.addi %mul3A_8, %add3A_60 : i32
    %add3A_62 = arith.constant 80 : i32
    %add3A_63 = arith.addi %add3A_61, %add3A_62 : i32
    %le3A_64 = arith.constant 10000 : i32
    %le3A_65 = arith.cmpi sle, %add3A_63, %le3A_64 : i32
    %convert_element_type3A_66 = arith.extui %le3A_65 : i1 to i32
    %cond3A_67 = arith.constant 0 : i32
    %cond3A_68 = arith.cmpi ne, %convert_element_type3A_66, %cond3A_67 : i32
    scf.if %cond3A_68 {
      "tpu.region"() ({
        %run_scoped3A = tpu.sem_alloc : memref<!tpu.dma_semaphore, #tpu.memory_space<semaphore_mem>>
        %dma_start3A_189 = arith.constant 0 : i32
        %dma_start3A_190 = tpu.memref_slice %arg8[%add3A_61, %dma_start3A_189] : memref<10000x144xf32, #tpu.memory_space<vmem_shared>> -> memref<80x144xf32, #tpu.memory_space<vmem_shared>>
        %dma_start3A_191 = arith.constant 0 : i32
        %dma_start3A_192 = tpu.memref_slice %arg8[%add3A_61, %dma_start3A_191] : memref<10000x144xf32, #tpu.memory_space<vmem_shared>> -> memref<80x144xf32, #tpu.memory_space<vmem_shared>>
        tpu.enqueue_dma source(%arg17 : memref<80x144xf32, #tpu.memory_space<vmem>>) target(%dma_start3A_192 : memref<80x144xf32, #tpu.memory_space<vmem_shared>>) target_semaphore(%run_scoped3A : memref<!tpu.dma_semaphore, #tpu.memory_space<semaphore_mem>>)
        %dma_wait3A_193 = arith.constant 0 : i32
        %dma_wait3A_194 = tpu.memref_slice %arg8[%add3A_61, %dma_wait3A_193] : memref<10000x144xf32, #tpu.memory_space<vmem_shared>> -> memref<80x144xf32, #tpu.memory_space<vmem_shared>>
        %dma_wait3A_195 = arith.constant 0 : i32
        %dma_wait3A_196 = tpu.memref_slice %arg8[%add3A_61, %dma_wait3A_195] : memref<10000x144xf32, #tpu.memory_space<vmem_shared>> -> memref<80x144xf32, #tpu.memory_space<vmem_shared>>
        tpu.wait_dma2 semaphore(%run_scoped3A : memref<!tpu.dma_semaphore, #tpu.memory_space<semaphore_mem>>) src(%arg17 : memref<80x144xf32, #tpu.memory_space<vmem>>) dst(%dma_wait3A_196 : memref<80x144xf32, #tpu.memory_space<vmem_shared>>)
        tpu.yield
      }) : () -> ()
    } else {
    }
    %add3A_69 = arith.constant 560 : i32
    %add3A_70 = arith.addi %mul3A_8, %add3A_69 : i32
    %add3A_71 = arith.constant 80 : i32
    %add3A_72 = arith.addi %add3A_70, %add3A_71 : i32
    %le3A_73 = arith.constant 10000 : i32
    %le3A_74 = arith.cmpi sle, %add3A_72, %le3A_73 : i32
    %convert_element_type3A_75 = arith.extui %le3A_74 : i1 to i32
    %cond3A_76 = arith.constant 0 : i32
    %cond3A_77 = arith.cmpi ne, %convert_element_type3A_75, %cond3A_76 : i32
    scf.if %cond3A_77 {
      "tpu.region"() ({
        %run_scoped3A = tpu.sem_alloc : memref<!tpu.dma_semaphore, #tpu.memory_space<semaphore_mem>>
        %dma_start3A_189 = arith.constant 0 : i32
        %dma_start3A_190 = tpu.memref_slice %arg8[%add3A_70, %dma_start3A_189] : memref<10000x144xf32, #tpu.memory_space<vmem_shared>> -> memref<80x144xf32, #tpu.memory_space<vmem_shared>>
        %dma_start3A_191 = arith.constant 0 : i32
        %dma_start3A_192 = tpu.memref_slice %arg8[%add3A_70, %dma_start3A_191] : memref<10000x144xf32, #tpu.memory_space<vmem_shared>> -> memref<80x144xf32, #tpu.memory_space<vmem_shared>>
        tpu.enqueue_dma source(%arg17 : memref<80x144xf32, #tpu.memory_space<vmem>>) target(%dma_start3A_192 : memref<80x144xf32, #tpu.memory_space<vmem_shared>>) target_semaphore(%run_scoped3A : memref<!tpu.dma_semaphore, #tpu.memory_space<semaphore_mem>>)
        %dma_wait3A_193 = arith.constant 0 : i32
        %dma_wait3A_194 = tpu.memref_slice %arg8[%add3A_70, %dma_wait3A_193] : memref<10000x144xf32, #tpu.memory_space<vmem_shared>> -> memref<80x144xf32, #tpu.memory_space<vmem_shared>>
        %dma_wait3A_195 = arith.constant 0 : i32
        %dma_wait3A_196 = tpu.memref_slice %arg8[%add3A_70, %dma_wait3A_195] : memref<10000x144xf32, #tpu.memory_space<vmem_shared>> -> memref<80x144xf32, #tpu.memory_space<vmem_shared>>
        tpu.wait_dma2 semaphore(%run_scoped3A : memref<!tpu.dma_semaphore, #tpu.memory_space<semaphore_mem>>) src(%arg17 : memref<80x144xf32, #tpu.memory_space<vmem>>) dst(%dma_wait3A_196 : memref<80x144xf32, #tpu.memory_space<vmem_shared>>)
        tpu.yield
      }) : () -> ()
    } else {
    }
    %eq3A = arith.constant 15 : i32
    %eq3A_78 = arith.cmpi eq, %arg1, %eq3A : i32
    %convert_element_type3A_79 = arith.extui %eq3A_78 : i1 to i32
    %cond3A_80 = arith.constant 0 : i32
    %cond3A_81 = arith.cmpi ne, %convert_element_type3A_79, %cond3A_80 : i32
    scf.if %cond3A_81 {
      "tpu.region"() ({
        %run_scoped3A = tpu.sem_alloc : memref<!tpu.dma_semaphore, #tpu.memory_space<semaphore_mem>>
        %dma_start3A_189 = arith.constant 0 : i32
        %dma_start3A_190 = arith.constant 0 : i32
        %dma_start3A_191 = tpu.memref_slice %arg17[%dma_start3A_189, %dma_start3A_190] : memref<80x144xf32, #tpu.memory_space<vmem>> -> memref<40x144xf32, #tpu.memory_space<vmem>>
        %dma_start3A_192 = arith.constant 9960 : i32
        %dma_start3A_193 = arith.constant 0 : i32
        %dma_start3A_194 = tpu.memref_slice %arg8[%dma_start3A_192, %dma_start3A_193] : memref<10000x144xf32, #tpu.memory_space<vmem_shared>> -> memref<40x144xf32, #tpu.memory_space<vmem_shared>>
        %dma_start3A_195 = arith.constant 9960 : i32
        %dma_start3A_196 = arith.constant 0 : i32
        %dma_start3A_197 = tpu.memref_slice %arg8[%dma_start3A_195, %dma_start3A_196] : memref<10000x144xf32, #tpu.memory_space<vmem_shared>> -> memref<40x144xf32, #tpu.memory_space<vmem_shared>>
        %dma_start3A_198 = arith.constant 0 : i32
        %dma_start3A_199 = arith.constant 0 : i32
        %dma_start3A_200 = tpu.memref_slice %arg17[%dma_start3A_198, %dma_start3A_199] : memref<80x144xf32, #tpu.memory_space<vmem>> -> memref<40x144xf32, #tpu.memory_space<vmem>>
        tpu.enqueue_dma source(%dma_start3A_200 : memref<40x144xf32, #tpu.memory_space<vmem>>) target(%dma_start3A_197 : memref<40x144xf32, #tpu.memory_space<vmem_shared>>) target_semaphore(%run_scoped3A : memref<!tpu.dma_semaphore, #tpu.memory_space<semaphore_mem>>)
        %dma_wait3A_201 = arith.constant 0 : i32
        %dma_wait3A_202 = arith.constant 0 : i32
        %dma_wait3A_203 = tpu.memref_slice %arg17[%dma_wait3A_201, %dma_wait3A_202] : memref<80x144xf32, #tpu.memory_space<vmem>> -> memref<40x144xf32, #tpu.memory_space<vmem>>
        %dma_wait3A_204 = arith.constant 9960 : i32
        %dma_wait3A_205 = arith.constant 0 : i32
        %dma_wait3A_206 = tpu.memref_slice %arg8[%dma_wait3A_204, %dma_wait3A_205] : memref<10000x144xf32, #tpu.memory_space<vmem_shared>> -> memref<40x144xf32, #tpu.memory_space<vmem_shared>>
        %dma_wait3A_207 = arith.constant 9960 : i32
        %dma_wait3A_208 = arith.constant 0 : i32
        %dma_wait3A_209 = tpu.memref_slice %arg8[%dma_wait3A_207, %dma_wait3A_208] : memref<10000x144xf32, #tpu.memory_space<vmem_shared>> -> memref<40x144xf32, #tpu.memory_space<vmem_shared>>
        %dma_wait3A_210 = arith.constant 0 : i32
        %dma_wait3A_211 = arith.constant 0 : i32
        %dma_wait3A_212 = tpu.memref_slice %arg17[%dma_wait3A_210, %dma_wait3A_211] : memref<80x144xf32, #tpu.memory_space<vmem>> -> memref<40x144xf32, #tpu.memory_space<vmem>>
        tpu.wait_dma2 semaphore(%run_scoped3A : memref<!tpu.dma_semaphore, #tpu.memory_space<semaphore_mem>>) src(%dma_wait3A_212 : memref<40x144xf32, #tpu.memory_space<vmem>>) dst(%dma_wait3A_209 : memref<40x144xf32, #tpu.memory_space<vmem_shared>>)
        tpu.yield
      }) : () -> ()
    } else {
    }
    %mul3A_82 = arith.constant 10000 : i32
    %mul3A_83 = arith.muli %add3A, %mul3A_82 : i32
    %add3A_84 = arith.constant 0 : i32
    %add3A_85 = arith.addi %mul3A_83, %add3A_84 : i32
    "tpu.region"() ({
      %run_scoped3A = tpu.sem_alloc : memref<!tpu.dma_semaphore, #tpu.memory_space<semaphore_mem>>
      %dma_start3A_189 = tpu.memref_slice %arg4[%add3A_85] : memref<320000xi32, #tpu.memory_space<hbm>> -> memref<80xi32, #tpu.memory_space<hbm>>
      %dma_start3A_190 = tpu.memref_slice %arg4[%add3A_85] : memref<320000xi32, #tpu.memory_space<hbm>> -> memref<80xi32, #tpu.memory_space<hbm>>
      tpu.enqueue_dma source(%dma_start3A_190 : memref<80xi32, #tpu.memory_space<hbm>>) target(%arg9 : memref<80xi32, #tpu.memory_space<vmem>>) target_semaphore(%run_scoped3A : memref<!tpu.dma_semaphore, #tpu.memory_space<semaphore_mem>>)
      %dma_wait3A_191 = tpu.memref_slice %arg4[%add3A_85] : memref<320000xi32, #tpu.memory_space<hbm>> -> memref<80xi32, #tpu.memory_space<hbm>>
      %dma_wait3A_192 = tpu.memref_slice %arg4[%add3A_85] : memref<320000xi32, #tpu.memory_space<hbm>> -> memref<80xi32, #tpu.memory_space<hbm>>
      tpu.wait_dma2 semaphore(%run_scoped3A : memref<!tpu.dma_semaphore, #tpu.memory_space<semaphore_mem>>) src(%dma_wait3A_192 : memref<80xi32, #tpu.memory_space<hbm>>) dst(%arg9 : memref<80xi32, #tpu.memory_space<vmem>>)
      tpu.yield
    }) : () -> ()
    "tpu.region"() ({
      %run_scoped3A = tpu.sem_alloc : memref<!tpu.dma_semaphore, #tpu.memory_space<semaphore_mem>>
      %dma_start3A_189 = tpu.memref_slice %arg5[%add3A_85] : memref<320000xi32, #tpu.memory_space<hbm>> -> memref<80xi32, #tpu.memory_space<hbm>>
      %dma_start3A_190 = tpu.memref_slice %arg5[%add3A_85] : memref<320000xi32, #tpu.memory_space<hbm>> -> memref<80xi32, #tpu.memory_space<hbm>>
      tpu.enqueue_dma source(%dma_start3A_190 : memref<80xi32, #tpu.memory_space<hbm>>) target(%arg11 : memref<80xi32, #tpu.memory_space<vmem>>) target_semaphore(%run_scoped3A : memref<!tpu.dma_semaphore, #tpu.memory_space<semaphore_mem>>)
      %dma_wait3A_191 = tpu.memref_slice %arg5[%add3A_85] : memref<320000xi32, #tpu.memory_space<hbm>> -> memref<80xi32, #tpu.memory_space<hbm>>
      %dma_wait3A_192 = tpu.memref_slice %arg5[%add3A_85] : memref<320000xi32, #tpu.memory_space<hbm>> -> memref<80xi32, #tpu.memory_space<hbm>>
      tpu.wait_dma2 semaphore(%run_scoped3A : memref<!tpu.dma_semaphore, #tpu.memory_space<semaphore_mem>>) src(%dma_wait3A_192 : memref<80xi32, #tpu.memory_space<hbm>>) dst(%arg11 : memref<80xi32, #tpu.memory_space<vmem>>)
      tpu.yield
    }) : () -> ()
    %dma_start3A = arith.constant 0 : i32
    %dma_start3A_86 = arith.constant 0 : i32
    %dma_start3A_87 = tpu.memref_slice %arg2[%dma_start3A, %dma_start3A_86] : memref<10000x144xf32, #tpu.memory_space<hbm>> -> memref<10000x144xf32, #tpu.memory_space<hbm>>
    tpu.enqueue_indirect_dma source(%dma_start3A_87 : memref<10000x144xf32, #tpu.memory_space<hbm>>) target(%arg13 : memref<80x144xf32, #tpu.memory_space<vmem>>) offsets(%arg9 : memref<80xi32, #tpu.memory_space<vmem>>) semaphore(%arg21 : memref<!tpu.dma_semaphore, #tpu.memory_space<semaphore_mem>>)
    %dma_start3A_88 = arith.constant 0 : i32
    %dma_start3A_89 = arith.constant 0 : i32
    %dma_start3A_90 = tpu.memref_slice %arg3[%dma_start3A_88, %dma_start3A_89] : memref<10000x16xf32, #tpu.memory_space<hbm>> -> memref<10000x16xf32, #tpu.memory_space<hbm>>
    tpu.enqueue_indirect_dma source(%dma_start3A_90 : memref<10000x16xf32, #tpu.memory_space<hbm>>) target(%arg15 : memref<80x16xf32, #tpu.memory_space<vmem>>) offsets(%arg11 : memref<80xi32, #tpu.memory_space<vmem>>) semaphore(%arg21 : memref<!tpu.dma_semaphore, #tpu.memory_space<semaphore_mem>>)
    "tpu.region"() ({
      %run_scoped3A = tpu.sem_alloc : memref<!tpu.dma_semaphore, #tpu.memory_space<semaphore_mem>>
      tpu.enqueue_dma source(%arg6 : memref<16xf32, #tpu.memory_space<hbm>>) target(%arg18 : memref<16xf32, #tpu.memory_space<vmem>>) target_semaphore(%run_scoped3A : memref<!tpu.dma_semaphore, #tpu.memory_space<semaphore_mem>>)
      tpu.wait_dma2 semaphore(%run_scoped3A : memref<!tpu.dma_semaphore, #tpu.memory_space<semaphore_mem>>) src(%arg6 : memref<16xf32, #tpu.memory_space<hbm>>) dst(%arg18 : memref<16xf32, #tpu.memory_space<vmem>>)
      tpu.yield
    }) : () -> ()
    %barrier3A = arith.constant 0 : index
    tpu.barrier barrier_id(%barrier3A)
    %get3A = arith.constant 0 : index
    %get3A_91 = tpu.vector_load %arg18[%get3A] {strides = array<i32>} : memref<16xf32, #tpu.memory_space<vmem>>, vector<16xf32>,
    %scan3A_92 = arith.constant 0 : i32
    %scan3A_93 = arith.constant 0 : i32
    %scan3A_94 = arith.constant 62 : i32
    %scan3A_95 = arith.addi %scan3A_93, %scan3A_94 : i32
    %scan3A_96 = arith.constant 1 : i32
    %scan3A_97 = scf.for %scan3A_189 = %scan3A_93 to %scan3A_95 step %scan3A_96 iter_args(%scan3A_190 = %scan3A_92) -> (i32)  : i32 {
      %mul3A_191 = arith.constant 2 : i32
      %mul3A_192 = arith.muli %mul3A_191, %scan3A_189 : i32
      %dma_wait3A_193 = arith.constant 0 : i32
      %dma_wait3A_194 = arith.constant 0 : i32
      %dma_wait3A_195 = tpu.memref_slice %arg2[%dma_wait3A_193, %dma_wait3A_194] : memref<10000x144xf32, #tpu.memory_space<hbm>> -> memref<10000x144xf32, #tpu.memory_space<hbm>>
      tpu.wait_indirect_dma semaphore(%arg21 : memref<!tpu.dma_semaphore, #tpu.memory_space<semaphore_mem>>) src(%dma_wait3A_195 : memref<10000x144xf32, #tpu.memory_space<hbm>>) dst(%arg13 : memref<80x144xf32, #tpu.memory_space<vmem>>)
      %dma_wait3A_196 = arith.constant 0 : i32
      %dma_wait3A_197 = arith.constant 0 : i32
      %dma_wait3A_198 = tpu.memref_slice %arg3[%dma_wait3A_196, %dma_wait3A_197] : memref<10000x16xf32, #tpu.memory_space<hbm>> -> memref<10000x16xf32, #tpu.memory_space<hbm>>
      tpu.wait_indirect_dma semaphore(%arg21 : memref<!tpu.dma_semaphore, #tpu.memory_space<semaphore_mem>>) src(%dma_wait3A_198 : memref<10000x16xf32, #tpu.memory_space<hbm>>) dst(%arg15 : memref<80x16xf32, #tpu.memory_space<vmem>>)
      %add3A_199 = arith.constant 1 : i32
      %add3A_200 = arith.addi %mul3A_192, %add3A_199 : i32
      %mul3A_201 = arith.constant 10000 : i32
      %mul3A_202 = arith.muli %add3A, %mul3A_201 : i32
      %mul3A_203 = arith.constant 80 : i32
      %mul3A_204 = arith.muli %add3A_200, %mul3A_203 : i32
      %add3A_205 = arith.addi %mul3A_202, %mul3A_204 : i32
      "tpu.region"() ({
        %run_scoped3A = tpu.sem_alloc : memref<!tpu.dma_semaphore, #tpu.memory_space<semaphore_mem>>
        %dma_start3A_246 = tpu.memref_slice %arg4[%add3A_205] : memref<320000xi32, #tpu.memory_space<hbm>> -> memref<80xi32, #tpu.memory_space<hbm>>
        %dma_start3A_247 = tpu.memref_slice %arg4[%add3A_205] : memref<320000xi32, #tpu.memory_space<hbm>> -> memref<80xi32, #tpu.memory_space<hbm>>
        tpu.enqueue_dma source(%dma_start3A_247 : memref<80xi32, #tpu.memory_space<hbm>>) target(%arg10 : memref<80xi32, #tpu.memory_space<vmem>>) target_semaphore(%run_scoped3A : memref<!tpu.dma_semaphore, #tpu.memory_space<semaphore_mem>>)
        %dma_wait3A_248 = tpu.memref_slice %arg4[%add3A_205] : memref<320000xi32, #tpu.memory_space<hbm>> -> memref<80xi32, #tpu.memory_space<hbm>>
        %dma_wait3A_249 = tpu.memref_slice %arg4[%add3A_205] : memref<320000xi32, #tpu.memory_space<hbm>> -> memref<80xi32, #tpu.memory_space<hbm>>
        tpu.wait_dma2 semaphore(%run_scoped3A : memref<!tpu.dma_semaphore, #tpu.memory_space<semaphore_mem>>) src(%dma_wait3A_249 : memref<80xi32, #tpu.memory_space<hbm>>) dst(%arg10 : memref<80xi32, #tpu.memory_space<vmem>>)
        tpu.yield
      }) : () -> ()
      "tpu.region"() ({
        %run_scoped3A = tpu.sem_alloc : memref<!tpu.dma_semaphore, #tpu.memory_space<semaphore_mem>>
        %dma_start3A_246 = tpu.memref_slice %arg5[%add3A_205] : memref<320000xi32, #tpu.memory_space<hbm>> -> memref<80xi32, #tpu.memory_space<hbm>>
        %dma_start3A_247 = tpu.memref_slice %arg5[%add3A_205] : memref<320000xi32, #tpu.memory_space<hbm>> -> memref<80xi32, #tpu.memory_space<hbm>>
        tpu.enqueue_dma source(%dma_start3A_247 : memref<80xi32, #tpu.memory_space<hbm>>) target(%arg12 : memref<80xi32, #tpu.memory_space<vmem>>) target_semaphore(%run_scoped3A : memref<!tpu.dma_semaphore, #tpu.memory_space<semaphore_mem>>)
        %dma_wait3A_248 = tpu.memref_slice %arg5[%add3A_205] : memref<320000xi32, #tpu.memory_space<hbm>> -> memref<80xi32, #tpu.memory_space<hbm>>
        %dma_wait3A_249 = tpu.memref_slice %arg5[%add3A_205] : memref<320000xi32, #tpu.memory_space<hbm>> -> memref<80xi32, #tpu.memory_space<hbm>>
        tpu.wait_dma2 semaphore(%run_scoped3A : memref<!tpu.dma_semaphore, #tpu.memory_space<semaphore_mem>>) src(%dma_wait3A_249 : memref<80xi32, #tpu.memory_space<hbm>>) dst(%arg12 : memref<80xi32, #tpu.memory_space<vmem>>)
        tpu.yield
      }) : () -> ()
      %dma_start3A_206 = arith.constant 0 : i32
      %dma_start3A_207 = arith.constant 0 : i32
      %dma_start3A_208 = tpu.memref_slice %arg2[%dma_start3A_206, %dma_start3A_207] : memref<10000x144xf32, #tpu.memory_space<hbm>> -> memref<10000x144xf32, #tpu.memory_space<hbm>>
      tpu.enqueue_indirect_dma source(%dma_start3A_208 : memref<10000x144xf32, #tpu.memory_space<hbm>>) target(%arg14 : memref<80x144xf32, #tpu.memory_space<vmem>>) offsets(%arg10 : memref<80xi32, #tpu.memory_space<vmem>>) semaphore(%arg22 : memref<!tpu.dma_semaphore, #tpu.memory_space<semaphore_mem>>)
      %dma_start3A_209 = arith.constant 0 : i32
      %dma_start3A_210 = arith.constant 0 : i32
      %dma_start3A_211 = tpu.memref_slice %arg3[%dma_start3A_209, %dma_start3A_210] : memref<10000x16xf32, #tpu.memory_space<hbm>> -> memref<10000x16xf32, #tpu.memory_space<hbm>>
      tpu.enqueue_indirect_dma source(%dma_start3A_211 : memref<10000x16xf32, #tpu.memory_space<hbm>>) target(%arg16 : memref<80x16xf32, #tpu.memory_space<vmem>>) offsets(%arg12 : memref<80xi32, #tpu.memory_space<vmem>>) semaphore(%arg22 : memref<!tpu.dma_semaphore, #tpu.memory_space<semaphore_mem>>)
      %scan3A_212 = arith.constant 0 : i32
      %scan3A_213 = arith.constant 0 : i32
      %scan3A_214 = arith.constant 40 : i32
      %scan3A_215 = arith.addi %scan3A_213, %scan3A_214 : i32
      %scan3A_216 = arith.constant 1 : i32
      %scan3A_217 = scf.for %scan3A_246 = %scan3A_213 to %scan3A_215 step %scan3A_216 iter_args(%scan3A_247 = %scan3A_212) -> (i32)  : i32 {
        %mul3A_248 = arith.constant 2 : i32
        %mul3A_249 = arith.muli %mul3A_248, %scan3A_246 : i32
        %add3A_250 = arith.constant 1 : i32
        %add3A_251 = arith.addi %mul3A_249, %add3A_250 : i32
        %get3A_252 = arith.index_cast %mul3A_249 : i32 to index
        %get3A_253 = arith.constant 128 : index
        %get3A_254 = tpu.vector_load %arg13[%get3A_252, %get3A_253] {strides = array<i32>} : memref<80x144xf32, #tpu.memory_space<vmem>>, vector<16xf32>,
        %get3A_255 = arith.index_cast %mul3A_249 : i32 to index
        %get3A_256 = arith.constant 0 : index
        %get3A_257 = tpu.vector_load %arg15[%get3A_255, %get3A_256] {strides = array<i32>} : memref<80x16xf32, #tpu.memory_space<vmem>>, vector<16xf32>,
        %add3A_258 = arith.addf %get3A_254, %get3A_257 : vector<16xf32>
        %get3A_259 = arith.index_cast %add3A_251 : i32 to index
        %get3A_260 = arith.constant 128 : index
        %get3A_261 = tpu.vector_load %arg13[%get3A_259, %get3A_260] {strides = array<i32>} : memref<80x144xf32, #tpu.memory_space<vmem>>, vector<16xf32>,
        %get3A_262 = arith.index_cast %add3A_251 : i32 to index
        %get3A_263 = arith.constant 0 : index
        %get3A_264 = tpu.vector_load %arg15[%get3A_262, %get3A_263] {strides = array<i32>} : memref<80x16xf32, #tpu.memory_space<vmem>>, vector<16xf32>,
        %add3A_265 = arith.addf %get3A_261, %get3A_264 : vector<16xf32>
        %mul3A_266 = arith.constant 2.000000e-01 : f32
        %mul3A_267 = vector.broadcast %mul3A_266 : f32 to vector<16xf32>
        %mul3A_268 = arith.mulf %add3A_258, %mul3A_267 : vector<16xf32>
        %max3A = arith.maximumf %add3A_258, %mul3A_268 : vector<16xf32>
        %mul3A_269 = arith.constant 2.000000e-01 : f32
        %mul3A_270 = vector.broadcast %mul3A_269 : f32 to vector<16xf32>
        %mul3A_271 = arith.mulf %add3A_265, %mul3A_270 : vector<16xf32>
        %max3A_272 = arith.maximumf %add3A_265, %mul3A_271 : vector<16xf32>
        %sub3A = arith.subf %max3A, %get3A_91 : vector<16xf32>
        %exp3A = math.exp %sub3A : vector<16xf32>
        %sub3A_273 = arith.subf %max3A_272, %get3A_91 : vector<16xf32>
        %exp3A_274 = math.exp %sub3A_273 : vector<16xf32>
        %swap3A = arith.constant 0 : index
        %swap3A_275 = tpu.vector_load %arg19[%swap3A] {strides = array<i32>} : memref<16xf32, #tpu.memory_space<vmem>>, vector<16xf32>,
        tpu.vector_store %arg19[%swap3A], %exp3A {strides = array<i32>} : memref<16xf32, #tpu.memory_space<vmem>>, vector<16xf32>,
        %swap3A_276 = arith.constant 0 : index
        %swap3A_277 = tpu.vector_load %arg20[%swap3A_276] {strides = array<i32>} : memref<16xf32, #tpu.memory_space<vmem>>, vector<16xf32>,
        tpu.vector_store %arg20[%swap3A_276], %exp3A_274 {strides = array<i32>} : memref<16xf32, #tpu.memory_space<vmem>>, vector<16xf32>,
        %swap3A_278 = arith.index_cast %mul3A_249 : i32 to index
        %swap3A_279 = arith.constant 128 : index
        %swap3A_280 = tpu.vector_load %arg17[%swap3A_278, %swap3A_279] {strides = array<i32>} : memref<80x144xf32, #tpu.memory_space<vmem>>, vector<16xf32>,
        tpu.vector_store %arg17[%swap3A_278, %swap3A_279], %exp3A {strides = array<i32>} : memref<80x144xf32, #tpu.memory_space<vmem>>, vector<16xf32>,
        %swap3A_281 = arith.index_cast %add3A_251 : i32 to index
        %swap3A_282 = arith.constant 128 : index
        %swap3A_283 = tpu.vector_load %arg17[%swap3A_281, %swap3A_282] {strides = array<i32>} : memref<80x144xf32, #tpu.memory_space<vmem>>, vector<16xf32>,
        tpu.vector_store %arg17[%swap3A_281, %swap3A_282], %exp3A_274 {strides = array<i32>} : memref<80x144xf32, #tpu.memory_space<vmem>>, vector<16xf32>,
        %broadcast_in_dim3A = arith.constant 8 : i32
        %broadcast_in_dim3A_284 = vector.broadcast %broadcast_in_dim3A : i32 to vector<16xi32>
        %gather3A = tpu.vector_load_idx %arg19[%broadcast_in_dim3A_284] : memref<16xf32, #tpu.memory_space<vmem>>[vector<16xi32>], vector<16xf32>,
        %gather3A_285 = tpu.vector_load_idx %arg20[%broadcast_in_dim3A_284] : memref<16xf32, #tpu.memory_space<vmem>>[vector<16xi32>], vector<16xf32>,
        %get3A_286 = arith.index_cast %mul3A_249 : i32 to index
        %get3A_287 = arith.constant 0 : index
        %get3A_288 = tpu.vector_load %arg13[%get3A_286, %get3A_287] {strides = array<i32>} : memref<80x144xf32, #tpu.memory_space<vmem>>, vector<16xf32>,
        %mul3A_289 = arith.mulf %get3A_288, %gather3A : vector<16xf32>
        %swap3A_290 = arith.index_cast %mul3A_249 : i32 to index
        %swap3A_291 = arith.constant 0 : index
        %swap3A_292 = tpu.vector_load %arg17[%swap3A_290, %swap3A_291] {strides = array<i32>} : memref<80x144xf32, #tpu.memory_space<vmem>>, vector<16xf32>,
        tpu.vector_store %arg17[%swap3A_290, %swap3A_291], %mul3A_289 {strides = array<i32>} : memref<80x144xf32, #tpu.memory_space<vmem>>, vector<16xf32>,
        %get3A_293 = arith.index_cast %add3A_251 : i32 to index
        %get3A_294 = arith.constant 0 : index
        %get3A_295 = tpu.vector_load %arg13[%get3A_293, %get3A_294] {strides = array<i32>} : memref<80x144xf32, #tpu.memory_space<vmem>>, vector<16xf32>,
        %mul3A_296 = arith.mulf %get3A_295, %gather3A_285 : vector<16xf32>
        %swap3A_297 = arith.index_cast %add3A_251 : i32 to index
        %swap3A_298 = arith.constant 0 : index
        %swap3A_299 = tpu.vector_load %arg17[%swap3A_297, %swap3A_298] {strides = array<i32>} : memref<80x144xf32, #tpu.memory_space<vmem>>, vector<16xf32>,
        tpu.vector_store %arg17[%swap3A_297, %swap3A_298], %mul3A_296 {strides = array<i32>} : memref<80x144xf32, #tpu.memory_space<vmem>>, vector<16xf32>,
        %broadcast_in_dim3A_300 = arith.constant 9 : i32
        %broadcast_in_dim3A_301 = vector.broadcast %broadcast_in_dim3A_300 : i32 to vector<16xi32>
        %gather3A_302 = tpu.vector_load_idx %arg19[%broadcast_in_dim3A_301] : memref<16xf32, #tpu.memory_space<vmem>>[vector<16xi32>], vector<16xf32>,
        %gather3A_303 = tpu.vector_load_idx %arg20[%broadcast_in_dim3A_301] : memref<16xf32, #tpu.memory_space<vmem>>[vector<16xi32>], vector<16xf32>,
        %get3A_304 = arith.index_cast %mul3A_249 : i32 to index
        %get3A_305 = arith.constant 16 : index
        %get3A_306 = tpu.vector_load %arg13[%get3A_304, %get3A_305] {strides = array<i32>} : memref<80x144xf32, #tpu.memory_space<vmem>>, vector<16xf32>,
        %mul3A_307 = arith.mulf %get3A_306, %gather3A_302 : vector<16xf32>
        %swap3A_308 = arith.index_cast %mul3A_249 : i32 to index
        %swap3A_309 = arith.constant 16 : index
        %swap3A_310 = tpu.vector_load %arg17[%swap3A_308, %swap3A_309] {strides = array<i32>} : memref<80x144xf32, #tpu.memory_space<vmem>>, vector<16xf32>,
        tpu.vector_store %arg17[%swap3A_308, %swap3A_309], %mul3A_307 {strides = array<i32>} : memref<80x144xf32, #tpu.memory_space<vmem>>, vector<16xf32>,
        %get3A_311 = arith.index_cast %add3A_251 : i32 to index
        %get3A_312 = arith.constant 16 : index
        %get3A_313 = tpu.vector_load %arg13[%get3A_311, %get3A_312] {strides = array<i32>} : memref<80x144xf32, #tpu.memory_space<vmem>>, vector<16xf32>,
        %mul3A_314 = arith.mulf %get3A_313, %gather3A_303 : vector<16xf32>
        %swap3A_315 = arith.index_cast %add3A_251 : i32 to index
        %swap3A_316 = arith.constant 16 : index
        %swap3A_317 = tpu.vector_load %arg17[%swap3A_315, %swap3A_316] {strides = array<i32>} : memref<80x144xf32, #tpu.memory_space<vmem>>, vector<16xf32>,
        tpu.vector_store %arg17[%swap3A_315, %swap3A_316], %mul3A_314 {strides = array<i32>} : memref<80x144xf32, #tpu.memory_space<vmem>>, vector<16xf32>,
        %broadcast_in_dim3A_318 = arith.constant 10 : i32
        %broadcast_in_dim3A_319 = vector.broadcast %broadcast_in_dim3A_318 : i32 to vector<16xi32>
        %gather3A_320 = tpu.vector_load_idx %arg19[%broadcast_in_dim3A_319] : memref<16xf32, #tpu.memory_space<vmem>>[vector<16xi32>], vector<16xf32>,
        %gather3A_321 = tpu.vector_load_idx %arg20[%broadcast_in_dim3A_319] : memref<16xf32, #tpu.memory_space<vmem>>[vector<16xi32>], vector<16xf32>,
        %get3A_322 = arith.index_cast %mul3A_249 : i32 to index
        %get3A_323 = arith.constant 32 : index
        %get3A_324 = tpu.vector_load %arg13[%get3A_322, %get3A_323] {strides = array<i32>} : memref<80x144xf32, #tpu.memory_space<vmem>>, vector<16xf32>,
        %mul3A_325 = arith.mulf %get3A_324, %gather3A_320 : vector<16xf32>
        %swap3A_326 = arith.index_cast %mul3A_249 : i32 to index
        %swap3A_327 = arith.constant 32 : index
        %swap3A_328 = tpu.vector_load %arg17[%swap3A_326, %swap3A_327] {strides = array<i32>} : memref<80x144xf32, #tpu.memory_space<vmem>>, vector<16xf32>,
        tpu.vector_store %arg17[%swap3A_326, %swap3A_327], %mul3A_325 {strides = array<i32>} : memref<80x144xf32, #tpu.memory_space<vmem>>, vector<16xf32>,
        %get3A_329 = arith.index_cast %add3A_251 : i32 to index
        %get3A_330 = arith.constant 32 : index
        %get3A_331 = tpu.vector_load %arg13[%get3A_329, %get3A_330] {strides = array<i32>} : memref<80x144xf32, #tpu.memory_space<vmem>>, vector<16xf32>,
        %mul3A_332 = arith.mulf %get3A_331, %gather3A_321 : vector<16xf32>
        %swap3A_333 = arith.index_cast %add3A_251 : i32 to index
        %swap3A_334 = arith.constant 32 : index
        %swap3A_335 = tpu.vector_load %arg17[%swap3A_333, %swap3A_334] {strides = array<i32>} : memref<80x144xf32, #tpu.memory_space<vmem>>, vector<16xf32>,
        tpu.vector_store %arg17[%swap3A_333, %swap3A_334], %mul3A_332 {strides = array<i32>} : memref<80x144xf32, #tpu.memory_space<vmem>>, vector<16xf32>,
        %broadcast_in_dim3A_336 = arith.constant 11 : i32
        %broadcast_in_dim3A_337 = vector.broadcast %broadcast_in_dim3A_336 : i32 to vector<16xi32>
        %gather3A_338 = tpu.vector_load_idx %arg19[%broadcast_in_dim3A_337] : memref<16xf32, #tpu.memory_space<vmem>>[vector<16xi32>], vector<16xf32>,
        %gather3A_339 = tpu.vector_load_idx %arg20[%broadcast_in_dim3A_337] : memref<16xf32, #tpu.memory_space<vmem>>[vector<16xi32>], vector<16xf32>,
        %get3A_340 = arith.index_cast %mul3A_249 : i32 to index
        %get3A_341 = arith.constant 48 : index
        %get3A_342 = tpu.vector_load %arg13[%get3A_340, %get3A_341] {strides = array<i32>} : memref<80x144xf32, #tpu.memory_space<vmem>>, vector<16xf32>,
        %mul3A_343 = arith.mulf %get3A_342, %gather3A_338 : vector<16xf32>
        %swap3A_344 = arith.index_cast %mul3A_249 : i32 to index
        %swap3A_345 = arith.constant 48 : index
        %swap3A_346 = tpu.vector_load %arg17[%swap3A_344, %swap3A_345] {strides = array<i32>} : memref<80x144xf32, #tpu.memory_space<vmem>>, vector<16xf32>,
        tpu.vector_store %arg17[%swap3A_344, %swap3A_345], %mul3A_343 {strides = array<i32>} : memref<80x144xf32, #tpu.memory_space<vmem>>, vector<16xf32>,
        %get3A_347 = arith.index_cast %add3A_251 : i32 to index
        %get3A_348 = arith.constant 48 : index
        %get3A_349 = tpu.vector_load %arg13[%get3A_347, %get3A_348] {strides = array<i32>} : memref<80x144xf32, #tpu.memory_space<vmem>>, vector<16xf32>,
        %mul3A_350 = arith.mulf %get3A_349, %gather3A_339 : vector<16xf32>
        %swap3A_351 = arith.index_cast %add3A_251 : i32 to index
        %swap3A_352 = arith.constant 48 : index
        %swap3A_353 = tpu.vector_load %arg17[%swap3A_351, %swap3A_352] {strides = array<i32>} : memref<80x144xf32, #tpu.memory_space<vmem>>, vector<16xf32>,
        tpu.vector_store %arg17[%swap3A_351, %swap3A_352], %mul3A_350 {strides = array<i32>} : memref<80x144xf32, #tpu.memory_space<vmem>>, vector<16xf32>,
        %broadcast_in_dim3A_354 = arith.constant 12 : i32
        %broadcast_in_dim3A_355 = vector.broadcast %broadcast_in_dim3A_354 : i32 to vector<16xi32>
        %gather3A_356 = tpu.vector_load_idx %arg19[%broadcast_in_dim3A_355] : memref<16xf32, #tpu.memory_space<vmem>>[vector<16xi32>], vector<16xf32>,
        %gather3A_357 = tpu.vector_load_idx %arg20[%broadcast_in_dim3A_355] : memref<16xf32, #tpu.memory_space<vmem>>[vector<16xi32>], vector<16xf32>,
        %get3A_358 = arith.index_cast %mul3A_249 : i32 to index
        %get3A_359 = arith.constant 64 : index
        %get3A_360 = tpu.vector_load %arg13[%get3A_358, %get3A_359] {strides = array<i32>} : memref<80x144xf32, #tpu.memory_space<vmem>>, vector<16xf32>,
        %mul3A_361 = arith.mulf %get3A_360, %gather3A_356 : vector<16xf32>
        %swap3A_362 = arith.index_cast %mul3A_249 : i32 to index
        %swap3A_363 = arith.constant 64 : index
        %swap3A_364 = tpu.vector_load %arg17[%swap3A_362, %swap3A_363] {strides = array<i32>} : memref<80x144xf32, #tpu.memory_space<vmem>>, vector<16xf32>,
        tpu.vector_store %arg17[%swap3A_362, %swap3A_363], %mul3A_361 {strides = array<i32>} : memref<80x144xf32, #tpu.memory_space<vmem>>, vector<16xf32>,
        %get3A_365 = arith.index_cast %add3A_251 : i32 to index
        %get3A_366 = arith.constant 64 : index
        %get3A_367 = tpu.vector_load %arg13[%get3A_365, %get3A_366] {strides = array<i32>} : memref<80x144xf32, #tpu.memory_space<vmem>>, vector<16xf32>,
        %mul3A_368 = arith.mulf %get3A_367, %gather3A_357 : vector<16xf32>
        %swap3A_369 = arith.index_cast %add3A_251 : i32 to index
        %swap3A_370 = arith.constant 64 : index
        %swap3A_371 = tpu.vector_load %arg17[%swap3A_369, %swap3A_370] {strides = array<i32>} : memref<80x144xf32, #tpu.memory_space<vmem>>, vector<16xf32>,
        tpu.vector_store %arg17[%swap3A_369, %swap3A_370], %mul3A_368 {strides = array<i32>} : memref<80x144xf32, #tpu.memory_space<vmem>>, vector<16xf32>,
        %broadcast_in_dim3A_372 = arith.constant 13 : i32
        %broadcast_in_dim3A_373 = vector.broadcast %broadcast_in_dim3A_372 : i32 to vector<16xi32>
        %gather3A_374 = tpu.vector_load_idx %arg19[%broadcast_in_dim3A_373] : memref<16xf32, #tpu.memory_space<vmem>>[vector<16xi32>], vector<16xf32>,
        %gather3A_375 = tpu.vector_load_idx %arg20[%broadcast_in_dim3A_373] : memref<16xf32, #tpu.memory_space<vmem>>[vector<16xi32>], vector<16xf32>,
        %get3A_376 = arith.index_cast %mul3A_249 : i32 to index
        %get3A_377 = arith.constant 80 : index
        %get3A_378 = tpu.vector_load %arg13[%get3A_376, %get3A_377] {strides = array<i32>} : memref<80x144xf32, #tpu.memory_space<vmem>>, vector<16xf32>,
        %mul3A_379 = arith.mulf %get3A_378, %gather3A_374 : vector<16xf32>
        %swap3A_380 = arith.index_cast %mul3A_249 : i32 to index
        %swap3A_381 = arith.constant 80 : index
        %swap3A_382 = tpu.vector_load %arg17[%swap3A_380, %swap3A_381] {strides = array<i32>} : memref<80x144xf32, #tpu.memory_space<vmem>>, vector<16xf32>,
        tpu.vector_store %arg17[%swap3A_380, %swap3A_381], %mul3A_379 {strides = array<i32>} : memref<80x144xf32, #tpu.memory_space<vmem>>, vector<16xf32>,
        %get3A_383 = arith.index_cast %add3A_251 : i32 to index
        %get3A_384 = arith.constant 80 : index
        %get3A_385 = tpu.vector_load %arg13[%get3A_383, %get3A_384] {strides = array<i32>} : memref<80x144xf32, #tpu.memory_space<vmem>>, vector<16xf32>,
        %mul3A_386 = arith.mulf %get3A_385, %gather3A_375 : vector<16xf32>
        %swap3A_387 = arith.index_cast %add3A_251 : i32 to index
        %swap3A_388 = arith.constant 80 : index
        %swap3A_389 = tpu.vector_load %arg17[%swap3A_387, %swap3A_388] {strides = array<i32>} : memref<80x144xf32, #tpu.memory_space<vmem>>, vector<16xf32>,
        tpu.vector_store %arg17[%swap3A_387, %swap3A_388], %mul3A_386 {strides = array<i32>} : memref<80x144xf32, #tpu.memory_space<vmem>>, vector<16xf32>,
        %broadcast_in_dim3A_390 = arith.constant 14 : i32
        %broadcast_in_dim3A_391 = vector.broadcast %broadcast_in_dim3A_390 : i32 to vector<16xi32>
        %gather3A_392 = tpu.vector_load_idx %arg19[%broadcast_in_dim3A_391] : memref<16xf32, #tpu.memory_space<vmem>>[vector<16xi32>], vector<16xf32>,
        %gather3A_393 = tpu.vector_load_idx %arg20[%broadcast_in_dim3A_391] : memref<16xf32, #tpu.memory_space<vmem>>[vector<16xi32>], vector<16xf32>,
        %get3A_394 = arith.index_cast %mul3A_249 : i32 to index
        %get3A_395 = arith.constant 96 : index
        %get3A_396 = tpu.vector_load %arg13[%get3A_394, %get3A_395] {strides = array<i32>} : memref<80x144xf32, #tpu.memory_space<vmem>>, vector<16xf32>,
        %mul3A_397 = arith.mulf %get3A_396, %gather3A_392 : vector<16xf32>
        %swap3A_398 = arith.index_cast %mul3A_249 : i32 to index
        %swap3A_399 = arith.constant 96 : index
        %swap3A_400 = tpu.vector_load %arg17[%swap3A_398, %swap3A_399] {strides = array<i32>} : memref<80x144xf32, #tpu.memory_space<vmem>>, vector<16xf32>,
        tpu.vector_store %arg17[%swap3A_398, %swap3A_399], %mul3A_397 {strides = array<i32>} : memref<80x144xf32, #tpu.memory_space<vmem>>, vector<16xf32>,
        %get3A_401 = arith.index_cast %add3A_251 : i32 to index
        %get3A_402 = arith.constant 96 : index
        %get3A_403 = tpu.vector_load %arg13[%get3A_401, %get3A_402] {strides = array<i32>} : memref<80x144xf32, #tpu.memory_space<vmem>>, vector<16xf32>,
        %mul3A_404 = arith.mulf %get3A_403, %gather3A_393 : vector<16xf32>
        %swap3A_405 = arith.index_cast %add3A_251 : i32 to index
        %swap3A_406 = arith.constant 96 : index
        %swap3A_407 = tpu.vector_load %arg17[%swap3A_405, %swap3A_406] {strides = array<i32>} : memref<80x144xf32, #tpu.memory_space<vmem>>, vector<16xf32>,
        tpu.vector_store %arg17[%swap3A_405, %swap3A_406], %mul3A_404 {strides = array<i32>} : memref<80x144xf32, #tpu.memory_space<vmem>>, vector<16xf32>,
        %broadcast_in_dim3A_408 = arith.constant 15 : i32
        %broadcast_in_dim3A_409 = vector.broadcast %broadcast_in_dim3A_408 : i32 to vector<16xi32>
        %gather3A_410 = tpu.vector_load_idx %arg19[%broadcast_in_dim3A_409] : memref<16xf32, #tpu.memory_space<vmem>>[vector<16xi32>], vector<16xf32>,
        %gather3A_411 = tpu.vector_load_idx %arg20[%broadcast_in_dim3A_409] : memref<16xf32, #tpu.memory_space<vmem>>[vector<16xi32>], vector<16xf32>,
        %get3A_412 = arith.index_cast %mul3A_249 : i32 to index
        %get3A_413 = arith.constant 112 : index
        %get3A_414 = tpu.vector_load %arg13[%get3A_412, %get3A_413] {strides = array<i32>} : memref<80x144xf32, #tpu.memory_space<vmem>>, vector<16xf32>,
        %mul3A_415 = arith.mulf %get3A_414, %gather3A_410 : vector<16xf32>
        %swap3A_416 = arith.index_cast %mul3A_249 : i32 to index
        %swap3A_417 = arith.constant 112 : index
        %swap3A_418 = tpu.vector_load %arg17[%swap3A_416, %swap3A_417] {strides = array<i32>} : memref<80x144xf32, #tpu.memory_space<vmem>>, vector<16xf32>,
        tpu.vector_store %arg17[%swap3A_416, %swap3A_417], %mul3A_415 {strides = array<i32>} : memref<80x144xf32, #tpu.memory_space<vmem>>, vector<16xf32>,
        %get3A_419 = arith.index_cast %add3A_251 : i32 to index
        %get3A_420 = arith.constant 112 : index
        %get3A_421 = tpu.vector_load %arg13[%get3A_419, %get3A_420] {strides = array<i32>} : memref<80x144xf32, #tpu.memory_space<vmem>>, vector<16xf32>,
        %mul3A_422 = arith.mulf %get3A_421, %gather3A_411 : vector<16xf32>
        %swap3A_423 = arith.index_cast %add3A_251 : i32 to index
        %swap3A_424 = arith.constant 112 : index
        %swap3A_425 = tpu.vector_load %arg17[%swap3A_423, %swap3A_424] {strides = array<i32>} : memref<80x144xf32, #tpu.memory_space<vmem>>, vector<16xf32>,
        tpu.vector_store %arg17[%swap3A_423, %swap3A_424], %mul3A_422 {strides = array<i32>} : memref<80x144xf32, #tpu.memory_space<vmem>>, vector<16xf32>,
        %scan3A_426 = arith.constant 0 : i32
        scf.yield %scan3A_426 : i32
      }
      %scan3A_218 = arith.constant 40 : i32
      "tpu.region"() ({
        %run_scoped3A = tpu.sem_alloc : memref<!tpu.dma_semaphore, #tpu.memory_space<semaphore_mem>>
        %dma_start3A_246 = arith.constant 0 : i32
        %dma_start3A_247 = arith.constant 0 : i32
        %dma_start3A_248 = tpu.memref_slice %arg8[%dma_start3A_246, %dma_start3A_247] : memref<10000x144xf32, #tpu.memory_space<vmem_shared>> -> memref<10000x144xf32, #tpu.memory_space<vmem_shared>>
        tpu.enqueue_indirect_dma source(%arg17 : memref<80x144xf32, #tpu.memory_space<vmem>>) target(%dma_start3A_248 : memref<10000x144xf32, #tpu.memory_space<vmem_shared>>) offsets(%arg11 : memref<80xi32, #tpu.memory_space<vmem>>) semaphore(%run_scoped3A : memref<!tpu.dma_semaphore, #tpu.memory_space<semaphore_mem>>) {add = true}
        %dma_wait3A_249 = arith.constant 0 : i32
        %dma_wait3A_250 = arith.constant 0 : i32
        %dma_wait3A_251 = tpu.memref_slice %arg8[%dma_wait3A_249, %dma_wait3A_250] : memref<10000x144xf32, #tpu.memory_space<vmem_shared>> -> memref<10000x144xf32, #tpu.memory_space<vmem_shared>>
        tpu.wait_indirect_dma semaphore(%run_scoped3A : memref<!tpu.dma_semaphore, #tpu.memory_space<semaphore_mem>>) src(%arg17 : memref<80x144xf32, #tpu.memory_space<vmem>>) dst(%dma_wait3A_251 : memref<10000x144xf32, #tpu.memory_space<vmem_shared>>)
        tpu.yield
      }) : () -> ()
      %dma_wait3A_219 = arith.constant 0 : i32
      %dma_wait3A_220 = arith.constant 0 : i32
      %dma_wait3A_221 = tpu.memref_slice %arg2[%dma_wait3A_219, %dma_wait3A_220] : memref<10000x144xf32, #tpu.memory_space<hbm>> -> memref<10000x144xf32, #tpu.memory_space<hbm>>
      tpu.wait_indirect_dma semaphore(%arg22 : memref<!tpu.dma_semaphore, #tpu.memory_space<semaphore_mem>>) src(%dma_wait3A_221 : memref<10000x144xf32, #tpu.memory_space<hbm>>) dst(%arg14 : memref<80x144xf32, #tpu.memory_space<vmem>>)
      %dma_wait3A_222 = arith.constant 0 : i32
      %dma_wait3A_223 = arith.constant 0 : i32
      %dma_wait3A_224 = tpu.memref_slice %arg3[%dma_wait3A_222, %dma_wait3A_223] : memref<10000x16xf32, #tpu.memory_space<hbm>> -> memref<10000x16xf32, #tpu.memory_space<hbm>>
      tpu.wait_indirect_dma semaphore(%arg22 : memref<!tpu.dma_semaphore, #tpu.memory_space<semaphore_mem>>) src(%dma_wait3A_224 : memref<10000x16xf32, #tpu.memory_space<hbm>>) dst(%arg16 : memref<80x16xf32, #tpu.memory_space<vmem>>)
      %add3A_225 = arith.constant 2 : i32
      %add3A_226 = arith.addi %mul3A_192, %add3A_225 : i32
      %mul3A_227 = arith.constant 10000 : i32
      %mul3A_228 = arith.muli %add3A, %mul3A_227 : i32
      %mul3A_229 = arith.constant 80 : i32
      %mul3A_230 = arith.muli %add3A_226, %mul3A_229 : i32
      %add3A_231 = arith.addi %mul3A_228, %mul3A_230 : i32
      "tpu.region"() ({
        %run_scoped3A = tpu.sem_alloc : memref<!tpu.dma_semaphore, #tpu.memory_space<semaphore_mem>>
        %dma_start3A_246 = tpu.memref_slice %arg4[%add3A_231] : memref<320000xi32, #tpu.memory_space<hbm>> -> memref<80xi32, #tpu.memory_space<hbm>>
        %dma_start3A_247 = tpu.memref_slice %arg4[%add3A_231] : memref<320000xi32, #tpu.memory_space<hbm>> -> memref<80xi32, #tpu.memory_space<hbm>>
        tpu.enqueue_dma source(%dma_start3A_247 : memref<80xi32, #tpu.memory_space<hbm>>) target(%arg9 : memref<80xi32, #tpu.memory_space<vmem>>) target_semaphore(%run_scoped3A : memref<!tpu.dma_semaphore, #tpu.memory_space<semaphore_mem>>)
        %dma_wait3A_248 = tpu.memref_slice %arg4[%add3A_231] : memref<320000xi32, #tpu.memory_space<hbm>> -> memref<80xi32, #tpu.memory_space<hbm>>
        %dma_wait3A_249 = tpu.memref_slice %arg4[%add3A_231] : memref<320000xi32, #tpu.memory_space<hbm>> -> memref<80xi32, #tpu.memory_space<hbm>>
        tpu.wait_dma2 semaphore(%run_scoped3A : memref<!tpu.dma_semaphore, #tpu.memory_space<semaphore_mem>>) src(%dma_wait3A_249 : memref<80xi32, #tpu.memory_space<hbm>>) dst(%arg9 : memref<80xi32, #tpu.memory_space<vmem>>)
        tpu.yield
      }) : () -> ()
      "tpu.region"() ({
        %run_scoped3A = tpu.sem_alloc : memref<!tpu.dma_semaphore, #tpu.memory_space<semaphore_mem>>
        %dma_start3A_246 = tpu.memref_slice %arg5[%add3A_231] : memref<320000xi32, #tpu.memory_space<hbm>> -> memref<80xi32, #tpu.memory_space<hbm>>
        %dma_start3A_247 = tpu.memref_slice %arg5[%add3A_231] : memref<320000xi32, #tpu.memory_space<hbm>> -> memref<80xi32, #tpu.memory_space<hbm>>
        tpu.enqueue_dma source(%dma_start3A_247 : memref<80xi32, #tpu.memory_space<hbm>>) target(%arg11 : memref<80xi32, #tpu.memory_space<vmem>>) target_semaphore(%run_scoped3A : memref<!tpu.dma_semaphore, #tpu.memory_space<semaphore_mem>>)
        %dma_wait3A_248 = tpu.memref_slice %arg5[%add3A_231] : memref<320000xi32, #tpu.memory_space<hbm>> -> memref<80xi32, #tpu.memory_space<hbm>>
        %dma_wait3A_249 = tpu.memref_slice %arg5[%add3A_231] : memref<320000xi32, #tpu.memory_space<hbm>> -> memref<80xi32, #tpu.memory_space<hbm>>
        tpu.wait_dma2 semaphore(%run_scoped3A : memref<!tpu.dma_semaphore, #tpu.memory_space<semaphore_mem>>) src(%dma_wait3A_249 : memref<80xi32, #tpu.memory_space<hbm>>) dst(%arg11 : memref<80xi32, #tpu.memory_space<vmem>>)
        tpu.yield
      }) : () -> ()
      %dma_start3A_232 = arith.constant 0 : i32
      %dma_start3A_233 = arith.constant 0 : i32
      %dma_start3A_234 = tpu.memref_slice %arg2[%dma_start3A_232, %dma_start3A_233] : memref<10000x144xf32, #tpu.memory_space<hbm>> -> memref<10000x144xf32, #tpu.memory_space<hbm>>
      tpu.enqueue_indirect_dma source(%dma_start3A_234 : memref<10000x144xf32, #tpu.memory_space<hbm>>) target(%arg13 : memref<80x144xf32, #tpu.memory_space<vmem>>) offsets(%arg9 : memref<80xi32, #tpu.memory_space<vmem>>) semaphore(%arg21 : memref<!tpu.dma_semaphore, #tpu.memory_space<semaphore_mem>>)
      %dma_start3A_235 = arith.constant 0 : i32
      %dma_start3A_236 = arith.constant 0 : i32
      %dma_start3A_237 = tpu.memref_slice %arg3[%dma_start3A_235, %dma_start3A_236] : memref<10000x16xf32, #tpu.memory_space<hbm>> -> memref<10000x16xf32, #tpu.memory_space<hbm>>
      tpu.enqueue_indirect_dma source(%dma_start3A_237 : memref<10000x16xf32, #tpu.memory_space<hbm>>) target(%arg15 : memref<80x16xf32, #tpu.memory_space<vmem>>) offsets(%arg11 : memref<80xi32, #tpu.memory_space<vmem>>) semaphore(%arg21 : memref<!tpu.dma_semaphore, #tpu.memory_space<semaphore_mem>>)
      %scan3A_238 = arith.constant 0 : i32
      %scan3A_239 = arith.constant 0 : i32
      %scan3A_240 = arith.constant 40 : i32
      %scan3A_241 = arith.addi %scan3A_239, %scan3A_240 : i32
      %scan3A_242 = arith.constant 1 : i32
      %scan3A_243 = scf.for %scan3A_246 = %scan3A_239 to %scan3A_241 step %scan3A_242 iter_args(%scan3A_247 = %scan3A_238) -> (i32)  : i32 {
        %mul3A_248 = arith.constant 2 : i32
        %mul3A_249 = arith.muli %mul3A_248, %scan3A_246 : i32
        %add3A_250 = arith.constant 1 : i32
        %add3A_251 = arith.addi %mul3A_249, %add3A_250 : i32
        %get3A_252 = arith.index_cast %mul3A_249 : i32 to index
        %get3A_253 = arith.constant 128 : index
        %get3A_254 = tpu.vector_load %arg14[%get3A_252, %get3A_253] {strides = array<i32>} : memref<80x144xf32, #tpu.memory_space<vmem>>, vector<16xf32>,
        %get3A_255 = arith.index_cast %mul3A_249 : i32 to index
        %get3A_256 = arith.constant 0 : index
        %get3A_257 = tpu.vector_load %arg16[%get3A_255, %get3A_256] {strides = array<i32>} : memref<80x16xf32, #tpu.memory_space<vmem>>, vector<16xf32>,
        %add3A_258 = arith.addf %get3A_254, %get3A_257 : vector<16xf32>
        %get3A_259 = arith.index_cast %add3A_251 : i32 to index
        %get3A_260 = arith.constant 128 : index
        %get3A_261 = tpu.vector_load %arg14[%get3A_259, %get3A_260] {strides = array<i32>} : memref<80x144xf32, #tpu.memory_space<vmem>>, vector<16xf32>,
        %get3A_262 = arith.index_cast %add3A_251 : i32 to index
        %get3A_263 = arith.constant 0 : index
        %get3A_264 = tpu.vector_load %arg16[%get3A_262, %get3A_263] {strides = array<i32>} : memref<80x16xf32, #tpu.memory_space<vmem>>, vector<16xf32>,
        %add3A_265 = arith.addf %get3A_261, %get3A_264 : vector<16xf32>
        %mul3A_266 = arith.constant 2.000000e-01 : f32
        %mul3A_267 = vector.broadcast %mul3A_266 : f32 to vector<16xf32>
        %mul3A_268 = arith.mulf %add3A_258, %mul3A_267 : vector<16xf32>
        %max3A = arith.maximumf %add3A_258, %mul3A_268 : vector<16xf32>
        %mul3A_269 = arith.constant 2.000000e-01 : f32
        %mul3A_270 = vector.broadcast %mul3A_269 : f32 to vector<16xf32>
        %mul3A_271 = arith.mulf %add3A_265, %mul3A_270 : vector<16xf32>
        %max3A_272 = arith.maximumf %add3A_265, %mul3A_271 : vector<16xf32>
        %sub3A = arith.subf %max3A, %get3A_91 : vector<16xf32>
        %exp3A = math.exp %sub3A : vector<16xf32>
        %sub3A_273 = arith.subf %max3A_272, %get3A_91 : vector<16xf32>
        %exp3A_274 = math.exp %sub3A_273 : vector<16xf32>
        %swap3A = arith.constant 0 : index
        %swap3A_275 = tpu.vector_load %arg19[%swap3A] {strides = array<i32>} : memref<16xf32, #tpu.memory_space<vmem>>, vector<16xf32>,
        tpu.vector_store %arg19[%swap3A], %exp3A {strides = array<i32>} : memref<16xf32, #tpu.memory_space<vmem>>, vector<16xf32>,
        %swap3A_276 = arith.constant 0 : index
        %swap3A_277 = tpu.vector_load %arg20[%swap3A_276] {strides = array<i32>} : memref<16xf32, #tpu.memory_space<vmem>>, vector<16xf32>,
        tpu.vector_store %arg20[%swap3A_276], %exp3A_274 {strides = array<i32>} : memref<16xf32, #tpu.memory_space<vmem>>, vector<16xf32>,
        %swap3A_278 = arith.index_cast %mul3A_249 : i32 to index
        %swap3A_279 = arith.constant 128 : index
        %swap3A_280 = tpu.vector_load %arg17[%swap3A_278, %swap3A_279] {strides = array<i32>} : memref<80x144xf32, #tpu.memory_space<vmem>>, vector<16xf32>,
        tpu.vector_store %arg17[%swap3A_278, %swap3A_279], %exp3A {strides = array<i32>} : memref<80x144xf32, #tpu.memory_space<vmem>>, vector<16xf32>,
        %swap3A_281 = arith.index_cast %add3A_251 : i32 to index
        %swap3A_282 = arith.constant 128 : index
        %swap3A_283 = tpu.vector_load %arg17[%swap3A_281, %swap3A_282] {strides = array<i32>} : memref<80x144xf32, #tpu.memory_space<vmem>>, vector<16xf32>,
        tpu.vector_store %arg17[%swap3A_281, %swap3A_282], %exp3A_274 {strides = array<i32>} : memref<80x144xf32, #tpu.memory_space<vmem>>, vector<16xf32>,
        %broadcast_in_dim3A = arith.constant 8 : i32
        %broadcast_in_dim3A_284 = vector.broadcast %broadcast_in_dim3A : i32 to vector<16xi32>
        %gather3A = tpu.vector_load_idx %arg19[%broadcast_in_dim3A_284] : memref<16xf32, #tpu.memory_space<vmem>>[vector<16xi32>], vector<16xf32>,
        %gather3A_285 = tpu.vector_load_idx %arg20[%broadcast_in_dim3A_284] : memref<16xf32, #tpu.memory_space<vmem>>[vector<16xi32>], vector<16xf32>,
        %get3A_286 = arith.index_cast %mul3A_249 : i32 to index
        %get3A_287 = arith.constant 0 : index
        %get3A_288 = tpu.vector_load %arg14[%get3A_286, %get3A_287] {strides = array<i32>} : memref<80x144xf32, #tpu.memory_space<vmem>>, vector<16xf32>,
        %mul3A_289 = arith.mulf %get3A_288, %gather3A : vector<16xf32>
        %swap3A_290 = arith.index_cast %mul3A_249 : i32 to index
        %swap3A_291 = arith.constant 0 : index
        %swap3A_292 = tpu.vector_load %arg17[%swap3A_290, %swap3A_291] {strides = array<i32>} : memref<80x144xf32, #tpu.memory_space<vmem>>, vector<16xf32>,
        tpu.vector_store %arg17[%swap3A_290, %swap3A_291], %mul3A_289 {strides = array<i32>} : memref<80x144xf32, #tpu.memory_space<vmem>>, vector<16xf32>,
        %get3A_293 = arith.index_cast %add3A_251 : i32 to index
        %get3A_294 = arith.constant 0 : index
        %get3A_295 = tpu.vector_load %arg14[%get3A_293, %get3A_294] {strides = array<i32>} : memref<80x144xf32, #tpu.memory_space<vmem>>, vector<16xf32>,
        %mul3A_296 = arith.mulf %get3A_295, %gather3A_285 : vector<16xf32>
        %swap3A_297 = arith.index_cast %add3A_251 : i32 to index
        %swap3A_298 = arith.constant 0 : index
        %swap3A_299 = tpu.vector_load %arg17[%swap3A_297, %swap3A_298] {strides = array<i32>} : memref<80x144xf32, #tpu.memory_space<vmem>>, vector<16xf32>,
        tpu.vector_store %arg17[%swap3A_297, %swap3A_298], %mul3A_296 {strides = array<i32>} : memref<80x144xf32, #tpu.memory_space<vmem>>, vector<16xf32>,
        %broadcast_in_dim3A_300 = arith.constant 9 : i32
        %broadcast_in_dim3A_301 = vector.broadcast %broadcast_in_dim3A_300 : i32 to vector<16xi32>
        %gather3A_302 = tpu.vector_load_idx %arg19[%broadcast_in_dim3A_301] : memref<16xf32, #tpu.memory_space<vmem>>[vector<16xi32>], vector<16xf32>,
        %gather3A_303 = tpu.vector_load_idx %arg20[%broadcast_in_dim3A_301] : memref<16xf32, #tpu.memory_space<vmem>>[vector<16xi32>], vector<16xf32>,
        %get3A_304 = arith.index_cast %mul3A_249 : i32 to index
        %get3A_305 = arith.constant 16 : index
        %get3A_306 = tpu.vector_load %arg14[%get3A_304, %get3A_305] {strides = array<i32>} : memref<80x144xf32, #tpu.memory_space<vmem>>, vector<16xf32>,
        %mul3A_307 = arith.mulf %get3A_306, %gather3A_302 : vector<16xf32>
        %swap3A_308 = arith.index_cast %mul3A_249 : i32 to index
        %swap3A_309 = arith.constant 16 : index
        %swap3A_310 = tpu.vector_load %arg17[%swap3A_308, %swap3A_309] {strides = array<i32>} : memref<80x144xf32, #tpu.memory_space<vmem>>, vector<16xf32>,
        tpu.vector_store %arg17[%swap3A_308, %swap3A_309], %mul3A_307 {strides = array<i32>} : memref<80x144xf32, #tpu.memory_space<vmem>>, vector<16xf32>,
        %get3A_311 = arith.index_cast %add3A_251 : i32 to index
        %get3A_312 = arith.constant 16 : index
        %get3A_313 = tpu.vector_load %arg14[%get3A_311, %get3A_312] {strides = array<i32>} : memref<80x144xf32, #tpu.memory_space<vmem>>, vector<16xf32>,
        %mul3A_314 = arith.mulf %get3A_313, %gather3A_303 : vector<16xf32>
        %swap3A_315 = arith.index_cast %add3A_251 : i32 to index
        %swap3A_316 = arith.constant 16 : index
        %swap3A_317 = tpu.vector_load %arg17[%swap3A_315, %swap3A_316] {strides = array<i32>} : memref<80x144xf32, #tpu.memory_space<vmem>>, vector<16xf32>,
        tpu.vector_store %arg17[%swap3A_315, %swap3A_316], %mul3A_314 {strides = array<i32>} : memref<80x144xf32, #tpu.memory_space<vmem>>, vector<16xf32>,
        %broadcast_in_dim3A_318 = arith.constant 10 : i32
        %broadcast_in_dim3A_319 = vector.broadcast %broadcast_in_dim3A_318 : i32 to vector<16xi32>
        %gather3A_320 = tpu.vector_load_idx %arg19[%broadcast_in_dim3A_319] : memref<16xf32, #tpu.memory_space<vmem>>[vector<16xi32>], vector<16xf32>,
        %gather3A_321 = tpu.vector_load_idx %arg20[%broadcast_in_dim3A_319] : memref<16xf32, #tpu.memory_space<vmem>>[vector<16xi32>], vector<16xf32>,
        %get3A_322 = arith.index_cast %mul3A_249 : i32 to index
        %get3A_323 = arith.constant 32 : index
        %get3A_324 = tpu.vector_load %arg14[%get3A_322, %get3A_323] {strides = array<i32>} : memref<80x144xf32, #tpu.memory_space<vmem>>, vector<16xf32>,
        %mul3A_325 = arith.mulf %get3A_324, %gather3A_320 : vector<16xf32>
        %swap3A_326 = arith.index_cast %mul3A_249 : i32 to index
        %swap3A_327 = arith.constant 32 : index
        %swap3A_328 = tpu.vector_load %arg17[%swap3A_326, %swap3A_327] {strides = array<i32>} : memref<80x144xf32, #tpu.memory_space<vmem>>, vector<16xf32>,
        tpu.vector_store %arg17[%swap3A_326, %swap3A_327], %mul3A_325 {strides = array<i32>} : memref<80x144xf32, #tpu.memory_space<vmem>>, vector<16xf32>,
        %get3A_329 = arith.index_cast %add3A_251 : i32 to index
        %get3A_330 = arith.constant 32 : index
        %get3A_331 = tpu.vector_load %arg14[%get3A_329, %get3A_330] {strides = array<i32>} : memref<80x144xf32, #tpu.memory_space<vmem>>, vector<16xf32>,
        %mul3A_332 = arith.mulf %get3A_331, %gather3A_321 : vector<16xf32>
        %swap3A_333 = arith.index_cast %add3A_251 : i32 to index
        %swap3A_334 = arith.constant 32 : index
        %swap3A_335 = tpu.vector_load %arg17[%swap3A_333, %swap3A_334] {strides = array<i32>} : memref<80x144xf32, #tpu.memory_space<vmem>>, vector<16xf32>,
        tpu.vector_store %arg17[%swap3A_333, %swap3A_334], %mul3A_332 {strides = array<i32>} : memref<80x144xf32, #tpu.memory_space<vmem>>, vector<16xf32>,
        %broadcast_in_dim3A_336 = arith.constant 11 : i32
        %broadcast_in_dim3A_337 = vector.broadcast %broadcast_in_dim3A_336 : i32 to vector<16xi32>
        %gather3A_338 = tpu.vector_load_idx %arg19[%broadcast_in_dim3A_337] : memref<16xf32, #tpu.memory_space<vmem>>[vector<16xi32>], vector<16xf32>,
        %gather3A_339 = tpu.vector_load_idx %arg20[%broadcast_in_dim3A_337] : memref<16xf32, #tpu.memory_space<vmem>>[vector<16xi32>], vector<16xf32>,
        %get3A_340 = arith.index_cast %mul3A_249 : i32 to index
        %get3A_341 = arith.constant 48 : index
        %get3A_342 = tpu.vector_load %arg14[%get3A_340, %get3A_341] {strides = array<i32>} : memref<80x144xf32, #tpu.memory_space<vmem>>, vector<16xf32>,
        %mul3A_343 = arith.mulf %get3A_342, %gather3A_338 : vector<16xf32>
        %swap3A_344 = arith.index_cast %mul3A_249 : i32 to index
        %swap3A_345 = arith.constant 48 : index
        %swap3A_346 = tpu.vector_load %arg17[%swap3A_344, %swap3A_345] {strides = array<i32>} : memref<80x144xf32, #tpu.memory_space<vmem>>, vector<16xf32>,
        tpu.vector_store %arg17[%swap3A_344, %swap3A_345], %mul3A_343 {strides = array<i32>} : memref<80x144xf32, #tpu.memory_space<vmem>>, vector<16xf32>,
        %get3A_347 = arith.index_cast %add3A_251 : i32 to index
        %get3A_348 = arith.constant 48 : index
        %get3A_349 = tpu.vector_load %arg14[%get3A_347, %get3A_348] {strides = array<i32>} : memref<80x144xf32, #tpu.memory_space<vmem>>, vector<16xf32>,
        %mul3A_350 = arith.mulf %get3A_349, %gather3A_339 : vector<16xf32>
        %swap3A_351 = arith.index_cast %add3A_251 : i32 to index
        %swap3A_352 = arith.constant 48 : index
        %swap3A_353 = tpu.vector_load %arg17[%swap3A_351, %swap3A_352] {strides = array<i32>} : memref<80x144xf32, #tpu.memory_space<vmem>>, vector<16xf32>,
        tpu.vector_store %arg17[%swap3A_351, %swap3A_352], %mul3A_350 {strides = array<i32>} : memref<80x144xf32, #tpu.memory_space<vmem>>, vector<16xf32>,
        %broadcast_in_dim3A_354 = arith.constant 12 : i32
        %broadcast_in_dim3A_355 = vector.broadcast %broadcast_in_dim3A_354 : i32 to vector<16xi32>
        %gather3A_356 = tpu.vector_load_idx %arg19[%broadcast_in_dim3A_355] : memref<16xf32, #tpu.memory_space<vmem>>[vector<16xi32>], vector<16xf32>,
        %gather3A_357 = tpu.vector_load_idx %arg20[%broadcast_in_dim3A_355] : memref<16xf32, #tpu.memory_space<vmem>>[vector<16xi32>], vector<16xf32>,
        %get3A_358 = arith.index_cast %mul3A_249 : i32 to index
        %get3A_359 = arith.constant 64 : index
        %get3A_360 = tpu.vector_load %arg14[%get3A_358, %get3A_359] {strides = array<i32>} : memref<80x144xf32, #tpu.memory_space<vmem>>, vector<16xf32>,
        %mul3A_361 = arith.mulf %get3A_360, %gather3A_356 : vector<16xf32>
        %swap3A_362 = arith.index_cast %mul3A_249 : i32 to index
        %swap3A_363 = arith.constant 64 : index
        %swap3A_364 = tpu.vector_load %arg17[%swap3A_362, %swap3A_363] {strides = array<i32>} : memref<80x144xf32, #tpu.memory_space<vmem>>, vector<16xf32>,
        tpu.vector_store %arg17[%swap3A_362, %swap3A_363], %mul3A_361 {strides = array<i32>} : memref<80x144xf32, #tpu.memory_space<vmem>>, vector<16xf32>,
        %get3A_365 = arith.index_cast %add3A_251 : i32 to index
        %get3A_366 = arith.constant 64 : index
        %get3A_367 = tpu.vector_load %arg14[%get3A_365, %get3A_366] {strides = array<i32>} : memref<80x144xf32, #tpu.memory_space<vmem>>, vector<16xf32>,
        %mul3A_368 = arith.mulf %get3A_367, %gather3A_357 : vector<16xf32>
        %swap3A_369 = arith.index_cast %add3A_251 : i32 to index
        %swap3A_370 = arith.constant 64 : index
        %swap3A_371 = tpu.vector_load %arg17[%swap3A_369, %swap3A_370] {strides = array<i32>} : memref<80x144xf32, #tpu.memory_space<vmem>>, vector<16xf32>,
        tpu.vector_store %arg17[%swap3A_369, %swap3A_370], %mul3A_368 {strides = array<i32>} : memref<80x144xf32, #tpu.memory_space<vmem>>, vector<16xf32>,
        %broadcast_in_dim3A_372 = arith.constant 13 : i32
        %broadcast_in_dim3A_373 = vector.broadcast %broadcast_in_dim3A_372 : i32 to vector<16xi32>
        %gather3A_374 = tpu.vector_load_idx %arg19[%broadcast_in_dim3A_373] : memref<16xf32, #tpu.memory_space<vmem>>[vector<16xi32>], vector<16xf32>,
        %gather3A_375 = tpu.vector_load_idx %arg20[%broadcast_in_dim3A_373] : memref<16xf32, #tpu.memory_space<vmem>>[vector<16xi32>], vector<16xf32>,
        %get3A_376 = arith.index_cast %mul3A_249 : i32 to index
        %get3A_377 = arith.constant 80 : index
        %get3A_378 = tpu.vector_load %arg14[%get3A_376, %get3A_377] {strides = array<i32>} : memref<80x144xf32, #tpu.memory_space<vmem>>, vector<16xf32>,
        %mul3A_379 = arith.mulf %get3A_378, %gather3A_374 : vector<16xf32>
        %swap3A_380 = arith.index_cast %mul3A_249 : i32 to index
        %swap3A_381 = arith.constant 80 : index
        %swap3A_382 = tpu.vector_load %arg17[%swap3A_380, %swap3A_381] {strides = array<i32>} : memref<80x144xf32, #tpu.memory_space<vmem>>, vector<16xf32>,
        tpu.vector_store %arg17[%swap3A_380, %swap3A_381], %mul3A_379 {strides = array<i32>} : memref<80x144xf32, #tpu.memory_space<vmem>>, vector<16xf32>,
        %get3A_383 = arith.index_cast %add3A_251 : i32 to index
        %get3A_384 = arith.constant 80 : index
        %get3A_385 = tpu.vector_load %arg14[%get3A_383, %get3A_384] {strides = array<i32>} : memref<80x144xf32, #tpu.memory_space<vmem>>, vector<16xf32>,
        %mul3A_386 = arith.mulf %get3A_385, %gather3A_375 : vector<16xf32>
        %swap3A_387 = arith.index_cast %add3A_251 : i32 to index
        %swap3A_388 = arith.constant 80 : index
        %swap3A_389 = tpu.vector_load %arg17[%swap3A_387, %swap3A_388] {strides = array<i32>} : memref<80x144xf32, #tpu.memory_space<vmem>>, vector<16xf32>,
        tpu.vector_store %arg17[%swap3A_387, %swap3A_388], %mul3A_386 {strides = array<i32>} : memref<80x144xf32, #tpu.memory_space<vmem>>, vector<16xf32>,
        %broadcast_in_dim3A_390 = arith.constant 14 : i32
        %broadcast_in_dim3A_391 = vector.broadcast %broadcast_in_dim3A_390 : i32 to vector<16xi32>
        %gather3A_392 = tpu.vector_load_idx %arg19[%broadcast_in_dim3A_391] : memref<16xf32, #tpu.memory_space<vmem>>[vector<16xi32>], vector<16xf32>,
        %gather3A_393 = tpu.vector_load_idx %arg20[%broadcast_in_dim3A_391] : memref<16xf32, #tpu.memory_space<vmem>>[vector<16xi32>], vector<16xf32>,
        %get3A_394 = arith.index_cast %mul3A_249 : i32 to index
        %get3A_395 = arith.constant 96 : index
        %get3A_396 = tpu.vector_load %arg14[%get3A_394, %get3A_395] {strides = array<i32>} : memref<80x144xf32, #tpu.memory_space<vmem>>, vector<16xf32>,
        %mul3A_397 = arith.mulf %get3A_396, %gather3A_392 : vector<16xf32>
        %swap3A_398 = arith.index_cast %mul3A_249 : i32 to index
        %swap3A_399 = arith.constant 96 : index
        %swap3A_400 = tpu.vector_load %arg17[%swap3A_398, %swap3A_399] {strides = array<i32>} : memref<80x144xf32, #tpu.memory_space<vmem>>, vector<16xf32>,
        tpu.vector_store %arg17[%swap3A_398, %swap3A_399], %mul3A_397 {strides = array<i32>} : memref<80x144xf32, #tpu.memory_space<vmem>>, vector<16xf32>,
        %get3A_401 = arith.index_cast %add3A_251 : i32 to index
        %get3A_402 = arith.constant 96 : index
        %get3A_403 = tpu.vector_load %arg14[%get3A_401, %get3A_402] {strides = array<i32>} : memref<80x144xf32, #tpu.memory_space<vmem>>, vector<16xf32>,
        %mul3A_404 = arith.mulf %get3A_403, %gather3A_393 : vector<16xf32>
        %swap3A_405 = arith.index_cast %add3A_251 : i32 to index
        %swap3A_406 = arith.constant 96 : index
        %swap3A_407 = tpu.vector_load %arg17[%swap3A_405, %swap3A_406] {strides = array<i32>} : memref<80x144xf32, #tpu.memory_space<vmem>>, vector<16xf32>,
        tpu.vector_store %arg17[%swap3A_405, %swap3A_406], %mul3A_404 {strides = array<i32>} : memref<80x144xf32, #tpu.memory_space<vmem>>, vector<16xf32>,
        %broadcast_in_dim3A_408 = arith.constant 15 : i32
        %broadcast_in_dim3A_409 = vector.broadcast %broadcast_in_dim3A_408 : i32 to vector<16xi32>
        %gather3A_410 = tpu.vector_load_idx %arg19[%broadcast_in_dim3A_409] : memref<16xf32, #tpu.memory_space<vmem>>[vector<16xi32>], vector<16xf32>,
        %gather3A_411 = tpu.vector_load_idx %arg20[%broadcast_in_dim3A_409] : memref<16xf32, #tpu.memory_space<vmem>>[vector<16xi32>], vector<16xf32>,
        %get3A_412 = arith.index_cast %mul3A_249 : i32 to index
        %get3A_413 = arith.constant 112 : index
        %get3A_414 = tpu.vector_load %arg14[%get3A_412, %get3A_413] {strides = array<i32>} : memref<80x144xf32, #tpu.memory_space<vmem>>, vector<16xf32>,
        %mul3A_415 = arith.mulf %get3A_414, %gather3A_410 : vector<16xf32>
        %swap3A_416 = arith.index_cast %mul3A_249 : i32 to index
        %swap3A_417 = arith.constant 112 : index
        %swap3A_418 = tpu.vector_load %arg17[%swap3A_416, %swap3A_417] {strides = array<i32>} : memref<80x144xf32, #tpu.memory_space<vmem>>, vector<16xf32>,
        tpu.vector_store %arg17[%swap3A_416, %swap3A_417], %mul3A_415 {strides = array<i32>} : memref<80x144xf32, #tpu.memory_space<vmem>>, vector<16xf32>,
        %get3A_419 = arith.index_cast %add3A_251 : i32 to index
        %get3A_420 = arith.constant 112 : index
        %get3A_421 = tpu.vector_load %arg14[%get3A_419, %get3A_420] {strides = array<i32>} : memref<80x144xf32, #tpu.memory_space<vmem>>, vector<16xf32>,
        %mul3A_422 = arith.mulf %get3A_421, %gather3A_411 : vector<16xf32>
        %swap3A_423 = arith.index_cast %add3A_251 : i32 to index
        %swap3A_424 = arith.constant 112 : index
        %swap3A_425 = tpu.vector_load %arg17[%swap3A_423, %swap3A_424] {strides = array<i32>} : memref<80x144xf32, #tpu.memory_space<vmem>>, vector<16xf32>,
        tpu.vector_store %arg17[%swap3A_423, %swap3A_424], %mul3A_422 {strides = array<i32>} : memref<80x144xf32, #tpu.memory_space<vmem>>, vector<16xf32>,
        %scan3A_426 = arith.constant 0 : i32
        scf.yield %scan3A_426 : i32
      }
      %scan3A_244 = arith.constant 40 : i32
      "tpu.region"() ({
        %run_scoped3A = tpu.sem_alloc : memref<!tpu.dma_semaphore, #tpu.memory_space<semaphore_mem>>
        %dma_start3A_246 = arith.constant 0 : i32
        %dma_start3A_247 = arith.constant 0 : i32
        %dma_start3A_248 = tpu.memref_slice %arg8[%dma_start3A_246, %dma_start3A_247] : memref<10000x144xf32, #tpu.memory_space<vmem_shared>> -> memref<10000x144xf32, #tpu.memory_space<vmem_shared>>
        tpu.enqueue_indirect_dma source(%arg17 : memref<80x144xf32, #tpu.memory_space<vmem>>) target(%dma_start3A_248 : memref<10000x144xf32, #tpu.memory_space<vmem_shared>>) offsets(%arg12 : memref<80xi32, #tpu.memory_space<vmem>>) semaphore(%run_scoped3A : memref<!tpu.dma_semaphore, #tpu.memory_space<semaphore_mem>>) {add = true}
        %dma_wait3A_249 = arith.constant 0 : i32
        %dma_wait3A_250 = arith.constant 0 : i32
        %dma_wait3A_251 = tpu.memref_slice %arg8[%dma_wait3A_249, %dma_wait3A_250] : memref<10000x144xf32, #tpu.memory_space<vmem_shared>> -> memref<10000x144xf32, #tpu.memory_space<vmem_shared>>
        tpu.wait_indirect_dma semaphore(%run_scoped3A : memref<!tpu.dma_semaphore, #tpu.memory_space<semaphore_mem>>) src(%arg17 : memref<80x144xf32, #tpu.memory_space<vmem>>) dst(%dma_wait3A_251 : memref<10000x144xf32, #tpu.memory_space<vmem_shared>>)
        tpu.yield
      }) : () -> ()
      %scan3A_245 = arith.constant 0 : i32
      scf.yield %scan3A_245 : i32
    }
    %scan3A_98 = arith.constant 62 : i32
    %dma_wait3A = arith.constant 0 : i32
    %dma_wait3A_99 = arith.constant 0 : i32
    %dma_wait3A_100 = tpu.memref_slice %arg2[%dma_wait3A, %dma_wait3A_99] : memref<10000x144xf32, #tpu.memory_space<hbm>> -> memref<10000x144xf32, #tpu.memory_space<hbm>>
    tpu.wait_indirect_dma semaphore(%arg21 : memref<!tpu.dma_semaphore, #tpu.memory_space<semaphore_mem>>) src(%dma_wait3A_100 : memref<10000x144xf32, #tpu.memory_space<hbm>>) dst(%arg13 : memref<80x144xf32, #tpu.memory_space<vmem>>)
    %dma_wait3A_101 = arith.constant 0 : i32
    %dma_wait3A_102 = arith.constant 0 : i32
    %dma_wait3A_103 = tpu.memref_slice %arg3[%dma_wait3A_101, %dma_wait3A_102] : memref<10000x16xf32, #tpu.memory_space<hbm>> -> memref<10000x16xf32, #tpu.memory_space<hbm>>
    tpu.wait_indirect_dma semaphore(%arg21 : memref<!tpu.dma_semaphore, #tpu.memory_space<semaphore_mem>>) src(%dma_wait3A_103 : memref<10000x16xf32, #tpu.memory_space<hbm>>) dst(%arg15 : memref<80x16xf32, #tpu.memory_space<vmem>>)
    %scan3A_104 = arith.constant 0 : i32
    %scan3A_105 = arith.constant 0 : i32
    %scan3A_106 = arith.constant 40 : i32
    %scan3A_107 = arith.addi %scan3A_105, %scan3A_106 : i32
    %scan3A_108 = arith.constant 1 : i32
    %scan3A_109 = scf.for %scan3A_189 = %scan3A_105 to %scan3A_107 step %scan3A_108 iter_args(%scan3A_190 = %scan3A_104) -> (i32)  : i32 {
      %mul3A_191 = arith.constant 2 : i32
      %mul3A_192 = arith.muli %mul3A_191, %scan3A_189 : i32
      %add3A_193 = arith.constant 1 : i32
      %add3A_194 = arith.addi %mul3A_192, %add3A_193 : i32
      %get3A_195 = arith.index_cast %mul3A_192 : i32 to index
      %get3A_196 = arith.constant 128 : index
      %get3A_197 = tpu.vector_load %arg13[%get3A_195, %get3A_196] {strides = array<i32>} : memref<80x144xf32, #tpu.memory_space<vmem>>, vector<16xf32>,
      %get3A_198 = arith.index_cast %mul3A_192 : i32 to index
      %get3A_199 = arith.constant 0 : index
      %get3A_200 = tpu.vector_load %arg15[%get3A_198, %get3A_199] {strides = array<i32>} : memref<80x16xf32, #tpu.memory_space<vmem>>, vector<16xf32>,
      %add3A_201 = arith.addf %get3A_197, %get3A_200 : vector<16xf32>
      %get3A_202 = arith.index_cast %add3A_194 : i32 to index
      %get3A_203 = arith.constant 128 : index
      %get3A_204 = tpu.vector_load %arg13[%get3A_202, %get3A_203] {strides = array<i32>} : memref<80x144xf32, #tpu.memory_space<vmem>>, vector<16xf32>,
      %get3A_205 = arith.index_cast %add3A_194 : i32 to index
      %get3A_206 = arith.constant 0 : index
      %get3A_207 = tpu.vector_load %arg15[%get3A_205, %get3A_206] {strides = array<i32>} : memref<80x16xf32, #tpu.memory_space<vmem>>, vector<16xf32>,
      %add3A_208 = arith.addf %get3A_204, %get3A_207 : vector<16xf32>
      %mul3A_209 = arith.constant 2.000000e-01 : f32
      %mul3A_210 = vector.broadcast %mul3A_209 : f32 to vector<16xf32>
      %mul3A_211 = arith.mulf %add3A_201, %mul3A_210 : vector<16xf32>
      %max3A = arith.maximumf %add3A_201, %mul3A_211 : vector<16xf32>
      %mul3A_212 = arith.constant 2.000000e-01 : f32
      %mul3A_213 = vector.broadcast %mul3A_212 : f32 to vector<16xf32>
      %mul3A_214 = arith.mulf %add3A_208, %mul3A_213 : vector<16xf32>
      %max3A_215 = arith.maximumf %add3A_208, %mul3A_214 : vector<16xf32>
      %sub3A = arith.subf %max3A, %get3A_91 : vector<16xf32>
      %exp3A = math.exp %sub3A : vector<16xf32>
      %sub3A_216 = arith.subf %max3A_215, %get3A_91 : vector<16xf32>
      %exp3A_217 = math.exp %sub3A_216 : vector<16xf32>
      %swap3A = arith.constant 0 : index
      %swap3A_218 = tpu.vector_load %arg19[%swap3A] {strides = array<i32>} : memref<16xf32, #tpu.memory_space<vmem>>, vector<16xf32>,
      tpu.vector_store %arg19[%swap3A], %exp3A {strides = array<i32>} : memref<16xf32, #tpu.memory_space<vmem>>, vector<16xf32>,
      %swap3A_219 = arith.constant 0 : index
      %swap3A_220 = tpu.vector_load %arg20[%swap3A_219] {strides = array<i32>} : memref<16xf32, #tpu.memory_space<vmem>>, vector<16xf32>,
      tpu.vector_store %arg20[%swap3A_219], %exp3A_217 {strides = array<i32>} : memref<16xf32, #tpu.memory_space<vmem>>, vector<16xf32>,
      %swap3A_221 = arith.index_cast %mul3A_192 : i32 to index
      %swap3A_222 = arith.constant 128 : index
      %swap3A_223 = tpu.vector_load %arg17[%swap3A_221, %swap3A_222] {strides = array<i32>} : memref<80x144xf32, #tpu.memory_space<vmem>>, vector<16xf32>,
      tpu.vector_store %arg17[%swap3A_221, %swap3A_222], %exp3A {strides = array<i32>} : memref<80x144xf32, #tpu.memory_space<vmem>>, vector<16xf32>,
      %swap3A_224 = arith.index_cast %add3A_194 : i32 to index
      %swap3A_225 = arith.constant 128 : index
      %swap3A_226 = tpu.vector_load %arg17[%swap3A_224, %swap3A_225] {strides = array<i32>} : memref<80x144xf32, #tpu.memory_space<vmem>>, vector<16xf32>,
      tpu.vector_store %arg17[%swap3A_224, %swap3A_225], %exp3A_217 {strides = array<i32>} : memref<80x144xf32, #tpu.memory_space<vmem>>, vector<16xf32>,
      %broadcast_in_dim3A = arith.constant 8 : i32
      %broadcast_in_dim3A_227 = vector.broadcast %broadcast_in_dim3A : i32 to vector<16xi32>
      %gather3A = tpu.vector_load_idx %arg19[%broadcast_in_dim3A_227] : memref<16xf32, #tpu.memory_space<vmem>>[vector<16xi32>], vector<16xf32>,
      %gather3A_228 = tpu.vector_load_idx %arg20[%broadcast_in_dim3A_227] : memref<16xf32, #tpu.memory_space<vmem>>[vector<16xi32>], vector<16xf32>,
      %get3A_229 = arith.index_cast %mul3A_192 : i32 to index
      %get3A_230 = arith.constant 0 : index
      %get3A_231 = tpu.vector_load %arg13[%get3A_229, %get3A_230] {strides = array<i32>} : memref<80x144xf32, #tpu.memory_space<vmem>>, vector<16xf32>,
      %mul3A_232 = arith.mulf %get3A_231, %gather3A : vector<16xf32>
      %swap3A_233 = arith.index_cast %mul3A_192 : i32 to index
      %swap3A_234 = arith.constant 0 : index
      %swap3A_235 = tpu.vector_load %arg17[%swap3A_233, %swap3A_234] {strides = array<i32>} : memref<80x144xf32, #tpu.memory_space<vmem>>, vector<16xf32>,
      tpu.vector_store %arg17[%swap3A_233, %swap3A_234], %mul3A_232 {strides = array<i32>} : memref<80x144xf32, #tpu.memory_space<vmem>>, vector<16xf32>,
      %get3A_236 = arith.index_cast %add3A_194 : i32 to index
      %get3A_237 = arith.constant 0 : index
      %get3A_238 = tpu.vector_load %arg13[%get3A_236, %get3A_237] {strides = array<i32>} : memref<80x144xf32, #tpu.memory_space<vmem>>, vector<16xf32>,
      %mul3A_239 = arith.mulf %get3A_238, %gather3A_228 : vector<16xf32>
      %swap3A_240 = arith.index_cast %add3A_194 : i32 to index
      %swap3A_241 = arith.constant 0 : index
      %swap3A_242 = tpu.vector_load %arg17[%swap3A_240, %swap3A_241] {strides = array<i32>} : memref<80x144xf32, #tpu.memory_space<vmem>>, vector<16xf32>,
      tpu.vector_store %arg17[%swap3A_240, %swap3A_241], %mul3A_239 {strides = array<i32>} : memref<80x144xf32, #tpu.memory_space<vmem>>, vector<16xf32>,
      %broadcast_in_dim3A_243 = arith.constant 9 : i32
      %broadcast_in_dim3A_244 = vector.broadcast %broadcast_in_dim3A_243 : i32 to vector<16xi32>
      %gather3A_245 = tpu.vector_load_idx %arg19[%broadcast_in_dim3A_244] : memref<16xf32, #tpu.memory_space<vmem>>[vector<16xi32>], vector<16xf32>,
      %gather3A_246 = tpu.vector_load_idx %arg20[%broadcast_in_dim3A_244] : memref<16xf32, #tpu.memory_space<vmem>>[vector<16xi32>], vector<16xf32>,
      %get3A_247 = arith.index_cast %mul3A_192 : i32 to index
      %get3A_248 = arith.constant 16 : index
      %get3A_249 = tpu.vector_load %arg13[%get3A_247, %get3A_248] {strides = array<i32>} : memref<80x144xf32, #tpu.memory_space<vmem>>, vector<16xf32>,
      %mul3A_250 = arith.mulf %get3A_249, %gather3A_245 : vector<16xf32>
      %swap3A_251 = arith.index_cast %mul3A_192 : i32 to index
      %swap3A_252 = arith.constant 16 : index
      %swap3A_253 = tpu.vector_load %arg17[%swap3A_251, %swap3A_252] {strides = array<i32>} : memref<80x144xf32, #tpu.memory_space<vmem>>, vector<16xf32>,
      tpu.vector_store %arg17[%swap3A_251, %swap3A_252], %mul3A_250 {strides = array<i32>} : memref<80x144xf32, #tpu.memory_space<vmem>>, vector<16xf32>,
      %get3A_254 = arith.index_cast %add3A_194 : i32 to index
      %get3A_255 = arith.constant 16 : index
      %get3A_256 = tpu.vector_load %arg13[%get3A_254, %get3A_255] {strides = array<i32>} : memref<80x144xf32, #tpu.memory_space<vmem>>, vector<16xf32>,
      %mul3A_257 = arith.mulf %get3A_256, %gather3A_246 : vector<16xf32>
      %swap3A_258 = arith.index_cast %add3A_194 : i32 to index
      %swap3A_259 = arith.constant 16 : index
      %swap3A_260 = tpu.vector_load %arg17[%swap3A_258, %swap3A_259] {strides = array<i32>} : memref<80x144xf32, #tpu.memory_space<vmem>>, vector<16xf32>,
      tpu.vector_store %arg17[%swap3A_258, %swap3A_259], %mul3A_257 {strides = array<i32>} : memref<80x144xf32, #tpu.memory_space<vmem>>, vector<16xf32>,
      %broadcast_in_dim3A_261 = arith.constant 10 : i32
      %broadcast_in_dim3A_262 = vector.broadcast %broadcast_in_dim3A_261 : i32 to vector<16xi32>
      %gather3A_263 = tpu.vector_load_idx %arg19[%broadcast_in_dim3A_262] : memref<16xf32, #tpu.memory_space<vmem>>[vector<16xi32>], vector<16xf32>,
      %gather3A_264 = tpu.vector_load_idx %arg20[%broadcast_in_dim3A_262] : memref<16xf32, #tpu.memory_space<vmem>>[vector<16xi32>], vector<16xf32>,
      %get3A_265 = arith.index_cast %mul3A_192 : i32 to index
      %get3A_266 = arith.constant 32 : index
      %get3A_267 = tpu.vector_load %arg13[%get3A_265, %get3A_266] {strides = array<i32>} : memref<80x144xf32, #tpu.memory_space<vmem>>, vector<16xf32>,
      %mul3A_268 = arith.mulf %get3A_267, %gather3A_263 : vector<16xf32>
      %swap3A_269 = arith.index_cast %mul3A_192 : i32 to index
      %swap3A_270 = arith.constant 32 : index
      %swap3A_271 = tpu.vector_load %arg17[%swap3A_269, %swap3A_270] {strides = array<i32>} : memref<80x144xf32, #tpu.memory_space<vmem>>, vector<16xf32>,
      tpu.vector_store %arg17[%swap3A_269, %swap3A_270], %mul3A_268 {strides = array<i32>} : memref<80x144xf32, #tpu.memory_space<vmem>>, vector<16xf32>,
      %get3A_272 = arith.index_cast %add3A_194 : i32 to index
      %get3A_273 = arith.constant 32 : index
      %get3A_274 = tpu.vector_load %arg13[%get3A_272, %get3A_273] {strides = array<i32>} : memref<80x144xf32, #tpu.memory_space<vmem>>, vector<16xf32>,
      %mul3A_275 = arith.mulf %get3A_274, %gather3A_264 : vector<16xf32>
      %swap3A_276 = arith.index_cast %add3A_194 : i32 to index
      %swap3A_277 = arith.constant 32 : index
      %swap3A_278 = tpu.vector_load %arg17[%swap3A_276, %swap3A_277] {strides = array<i32>} : memref<80x144xf32, #tpu.memory_space<vmem>>, vector<16xf32>,
      tpu.vector_store %arg17[%swap3A_276, %swap3A_277], %mul3A_275 {strides = array<i32>} : memref<80x144xf32, #tpu.memory_space<vmem>>, vector<16xf32>,
      %broadcast_in_dim3A_279 = arith.constant 11 : i32
      %broadcast_in_dim3A_280 = vector.broadcast %broadcast_in_dim3A_279 : i32 to vector<16xi32>
      %gather3A_281 = tpu.vector_load_idx %arg19[%broadcast_in_dim3A_280] : memref<16xf32, #tpu.memory_space<vmem>>[vector<16xi32>], vector<16xf32>,
      %gather3A_282 = tpu.vector_load_idx %arg20[%broadcast_in_dim3A_280] : memref<16xf32, #tpu.memory_space<vmem>>[vector<16xi32>], vector<16xf32>,
      %get3A_283 = arith.index_cast %mul3A_192 : i32 to index
      %get3A_284 = arith.constant 48 : index
      %get3A_285 = tpu.vector_load %arg13[%get3A_283, %get3A_284] {strides = array<i32>} : memref<80x144xf32, #tpu.memory_space<vmem>>, vector<16xf32>,
      %mul3A_286 = arith.mulf %get3A_285, %gather3A_281 : vector<16xf32>
      %swap3A_287 = arith.index_cast %mul3A_192 : i32 to index
      %swap3A_288 = arith.constant 48 : index
      %swap3A_289 = tpu.vector_load %arg17[%swap3A_287, %swap3A_288] {strides = array<i32>} : memref<80x144xf32, #tpu.memory_space<vmem>>, vector<16xf32>,
      tpu.vector_store %arg17[%swap3A_287, %swap3A_288], %mul3A_286 {strides = array<i32>} : memref<80x144xf32, #tpu.memory_space<vmem>>, vector<16xf32>,
      %get3A_290 = arith.index_cast %add3A_194 : i32 to index
      %get3A_291 = arith.constant 48 : index
      %get3A_292 = tpu.vector_load %arg13[%get3A_290, %get3A_291] {strides = array<i32>} : memref<80x144xf32, #tpu.memory_space<vmem>>, vector<16xf32>,
      %mul3A_293 = arith.mulf %get3A_292, %gather3A_282 : vector<16xf32>
      %swap3A_294 = arith.index_cast %add3A_194 : i32 to index
      %swap3A_295 = arith.constant 48 : index
      %swap3A_296 = tpu.vector_load %arg17[%swap3A_294, %swap3A_295] {strides = array<i32>} : memref<80x144xf32, #tpu.memory_space<vmem>>, vector<16xf32>,
      tpu.vector_store %arg17[%swap3A_294, %swap3A_295], %mul3A_293 {strides = array<i32>} : memref<80x144xf32, #tpu.memory_space<vmem>>, vector<16xf32>,
      %broadcast_in_dim3A_297 = arith.constant 12 : i32
      %broadcast_in_dim3A_298 = vector.broadcast %broadcast_in_dim3A_297 : i32 to vector<16xi32>
      %gather3A_299 = tpu.vector_load_idx %arg19[%broadcast_in_dim3A_298] : memref<16xf32, #tpu.memory_space<vmem>>[vector<16xi32>], vector<16xf32>,
      %gather3A_300 = tpu.vector_load_idx %arg20[%broadcast_in_dim3A_298] : memref<16xf32, #tpu.memory_space<vmem>>[vector<16xi32>], vector<16xf32>,
      %get3A_301 = arith.index_cast %mul3A_192 : i32 to index
      %get3A_302 = arith.constant 64 : index
      %get3A_303 = tpu.vector_load %arg13[%get3A_301, %get3A_302] {strides = array<i32>} : memref<80x144xf32, #tpu.memory_space<vmem>>, vector<16xf32>,
      %mul3A_304 = arith.mulf %get3A_303, %gather3A_299 : vector<16xf32>
      %swap3A_305 = arith.index_cast %mul3A_192 : i32 to index
      %swap3A_306 = arith.constant 64 : index
      %swap3A_307 = tpu.vector_load %arg17[%swap3A_305, %swap3A_306] {strides = array<i32>} : memref<80x144xf32, #tpu.memory_space<vmem>>, vector<16xf32>,
      tpu.vector_store %arg17[%swap3A_305, %swap3A_306], %mul3A_304 {strides = array<i32>} : memref<80x144xf32, #tpu.memory_space<vmem>>, vector<16xf32>,
      %get3A_308 = arith.index_cast %add3A_194 : i32 to index
      %get3A_309 = arith.constant 64 : index
      %get3A_310 = tpu.vector_load %arg13[%get3A_308, %get3A_309] {strides = array<i32>} : memref<80x144xf32, #tpu.memory_space<vmem>>, vector<16xf32>,
      %mul3A_311 = arith.mulf %get3A_310, %gather3A_300 : vector<16xf32>
      %swap3A_312 = arith.index_cast %add3A_194 : i32 to index
      %swap3A_313 = arith.constant 64 : index
      %swap3A_314 = tpu.vector_load %arg17[%swap3A_312, %swap3A_313] {strides = array<i32>} : memref<80x144xf32, #tpu.memory_space<vmem>>, vector<16xf32>,
      tpu.vector_store %arg17[%swap3A_312, %swap3A_313], %mul3A_311 {strides = array<i32>} : memref<80x144xf32, #tpu.memory_space<vmem>>, vector<16xf32>,
      %broadcast_in_dim3A_315 = arith.constant 13 : i32
      %broadcast_in_dim3A_316 = vector.broadcast %broadcast_in_dim3A_315 : i32 to vector<16xi32>
      %gather3A_317 = tpu.vector_load_idx %arg19[%broadcast_in_dim3A_316] : memref<16xf32, #tpu.memory_space<vmem>>[vector<16xi32>], vector<16xf32>,
      %gather3A_318 = tpu.vector_load_idx %arg20[%broadcast_in_dim3A_316] : memref<16xf32, #tpu.memory_space<vmem>>[vector<16xi32>], vector<16xf32>,
      %get3A_319 = arith.index_cast %mul3A_192 : i32 to index
      %get3A_320 = arith.constant 80 : index
      %get3A_321 = tpu.vector_load %arg13[%get3A_319, %get3A_320] {strides = array<i32>} : memref<80x144xf32, #tpu.memory_space<vmem>>, vector<16xf32>,
      %mul3A_322 = arith.mulf %get3A_321, %gather3A_317 : vector<16xf32>
      %swap3A_323 = arith.index_cast %mul3A_192 : i32 to index
      %swap3A_324 = arith.constant 80 : index
      %swap3A_325 = tpu.vector_load %arg17[%swap3A_323, %swap3A_324] {strides = array<i32>} : memref<80x144xf32, #tpu.memory_space<vmem>>, vector<16xf32>,
      tpu.vector_store %arg17[%swap3A_323, %swap3A_324], %mul3A_322 {strides = array<i32>} : memref<80x144xf32, #tpu.memory_space<vmem>>, vector<16xf32>,
      %get3A_326 = arith.index_cast %add3A_194 : i32 to index
      %get3A_327 = arith.constant 80 : index
      %get3A_328 = tpu.vector_load %arg13[%get3A_326, %get3A_327] {strides = array<i32>} : memref<80x144xf32, #tpu.memory_space<vmem>>, vector<16xf32>,
      %mul3A_329 = arith.mulf %get3A_328, %gather3A_318 : vector<16xf32>
      %swap3A_330 = arith.index_cast %add3A_194 : i32 to index
      %swap3A_331 = arith.constant 80 : index
      %swap3A_332 = tpu.vector_load %arg17[%swap3A_330, %swap3A_331] {strides = array<i32>} : memref<80x144xf32, #tpu.memory_space<vmem>>, vector<16xf32>,
      tpu.vector_store %arg17[%swap3A_330, %swap3A_331], %mul3A_329 {strides = array<i32>} : memref<80x144xf32, #tpu.memory_space<vmem>>, vector<16xf32>,
      %broadcast_in_dim3A_333 = arith.constant 14 : i32
      %broadcast_in_dim3A_334 = vector.broadcast %broadcast_in_dim3A_333 : i32 to vector<16xi32>
      %gather3A_335 = tpu.vector_load_idx %arg19[%broadcast_in_dim3A_334] : memref<16xf32, #tpu.memory_space<vmem>>[vector<16xi32>], vector<16xf32>,
      %gather3A_336 = tpu.vector_load_idx %arg20[%broadcast_in_dim3A_334] : memref<16xf32, #tpu.memory_space<vmem>>[vector<16xi32>], vector<16xf32>,
      %get3A_337 = arith.index_cast %mul3A_192 : i32 to index
      %get3A_338 = arith.constant 96 : index
      %get3A_339 = tpu.vector_load %arg13[%get3A_337, %get3A_338] {strides = array<i32>} : memref<80x144xf32, #tpu.memory_space<vmem>>, vector<16xf32>,
      %mul3A_340 = arith.mulf %get3A_339, %gather3A_335 : vector<16xf32>
      %swap3A_341 = arith.index_cast %mul3A_192 : i32 to index
      %swap3A_342 = arith.constant 96 : index
      %swap3A_343 = tpu.vector_load %arg17[%swap3A_341, %swap3A_342] {strides = array<i32>} : memref<80x144xf32, #tpu.memory_space<vmem>>, vector<16xf32>,
      tpu.vector_store %arg17[%swap3A_341, %swap3A_342], %mul3A_340 {strides = array<i32>} : memref<80x144xf32, #tpu.memory_space<vmem>>, vector<16xf32>,
      %get3A_344 = arith.index_cast %add3A_194 : i32 to index
      %get3A_345 = arith.constant 96 : index
      %get3A_346 = tpu.vector_load %arg13[%get3A_344, %get3A_345] {strides = array<i32>} : memref<80x144xf32, #tpu.memory_space<vmem>>, vector<16xf32>,
      %mul3A_347 = arith.mulf %get3A_346, %gather3A_336 : vector<16xf32>
      %swap3A_348 = arith.index_cast %add3A_194 : i32 to index
      %swap3A_349 = arith.constant 96 : index
      %swap3A_350 = tpu.vector_load %arg17[%swap3A_348, %swap3A_349] {strides = array<i32>} : memref<80x144xf32, #tpu.memory_space<vmem>>, vector<16xf32>,
      tpu.vector_store %arg17[%swap3A_348, %swap3A_349], %mul3A_347 {strides = array<i32>} : memref<80x144xf32, #tpu.memory_space<vmem>>, vector<16xf32>,
      %broadcast_in_dim3A_351 = arith.constant 15 : i32
      %broadcast_in_dim3A_352 = vector.broadcast %broadcast_in_dim3A_351 : i32 to vector<16xi32>
      %gather3A_353 = tpu.vector_load_idx %arg19[%broadcast_in_dim3A_352] : memref<16xf32, #tpu.memory_space<vmem>>[vector<16xi32>], vector<16xf32>,
      %gather3A_354 = tpu.vector_load_idx %arg20[%broadcast_in_dim3A_352] : memref<16xf32, #tpu.memory_space<vmem>>[vector<16xi32>], vector<16xf32>,
      %get3A_355 = arith.index_cast %mul3A_192 : i32 to index
      %get3A_356 = arith.constant 112 : index
      %get3A_357 = tpu.vector_load %arg13[%get3A_355, %get3A_356] {strides = array<i32>} : memref<80x144xf32, #tpu.memory_space<vmem>>, vector<16xf32>,
      %mul3A_358 = arith.mulf %get3A_357, %gather3A_353 : vector<16xf32>
      %swap3A_359 = arith.index_cast %mul3A_192 : i32 to index
      %swap3A_360 = arith.constant 112 : index
      %swap3A_361 = tpu.vector_load %arg17[%swap3A_359, %swap3A_360] {strides = array<i32>} : memref<80x144xf32, #tpu.memory_space<vmem>>, vector<16xf32>,
      tpu.vector_store %arg17[%swap3A_359, %swap3A_360], %mul3A_358 {strides = array<i32>} : memref<80x144xf32, #tpu.memory_space<vmem>>, vector<16xf32>,
      %get3A_362 = arith.index_cast %add3A_194 : i32 to index
      %get3A_363 = arith.constant 112 : index
      %get3A_364 = tpu.vector_load %arg13[%get3A_362, %get3A_363] {strides = array<i32>} : memref<80x144xf32, #tpu.memory_space<vmem>>, vector<16xf32>,
      %mul3A_365 = arith.mulf %get3A_364, %gather3A_354 : vector<16xf32>
      %swap3A_366 = arith.index_cast %add3A_194 : i32 to index
      %swap3A_367 = arith.constant 112 : index
      %swap3A_368 = tpu.vector_load %arg17[%swap3A_366, %swap3A_367] {strides = array<i32>} : memref<80x144xf32, #tpu.memory_space<vmem>>, vector<16xf32>,
      tpu.vector_store %arg17[%swap3A_366, %swap3A_367], %mul3A_365 {strides = array<i32>} : memref<80x144xf32, #tpu.memory_space<vmem>>, vector<16xf32>,
      %scan3A_369 = arith.constant 0 : i32
      scf.yield %scan3A_369 : i32
    }
    %scan3A_110 = arith.constant 40 : i32
    "tpu.region"() ({
      %run_scoped3A = tpu.sem_alloc : memref<!tpu.dma_semaphore, #tpu.memory_space<semaphore_mem>>
      %dma_start3A_189 = arith.constant 0 : i32
      %dma_start3A_190 = arith.constant 0 : i32
      %dma_start3A_191 = tpu.memref_slice %arg8[%dma_start3A_189, %dma_start3A_190] : memref<10000x144xf32, #tpu.memory_space<vmem_shared>> -> memref<10000x144xf32, #tpu.memory_space<vmem_shared>>
      tpu.enqueue_indirect_dma source(%arg17 : memref<80x144xf32, #tpu.memory_space<vmem>>) target(%dma_start3A_191 : memref<10000x144xf32, #tpu.memory_space<vmem_shared>>) offsets(%arg11 : memref<80xi32, #tpu.memory_space<vmem>>) semaphore(%run_scoped3A : memref<!tpu.dma_semaphore, #tpu.memory_space<semaphore_mem>>) {add = true}
      %dma_wait3A_192 = arith.constant 0 : i32
      %dma_wait3A_193 = arith.constant 0 : i32
      %dma_wait3A_194 = tpu.memref_slice %arg8[%dma_wait3A_192, %dma_wait3A_193] : memref<10000x144xf32, #tpu.memory_space<vmem_shared>> -> memref<10000x144xf32, #tpu.memory_space<vmem_shared>>
      tpu.wait_indirect_dma semaphore(%run_scoped3A : memref<!tpu.dma_semaphore, #tpu.memory_space<semaphore_mem>>) src(%arg17 : memref<80x144xf32, #tpu.memory_space<vmem>>) dst(%dma_wait3A_194 : memref<10000x144xf32, #tpu.memory_space<vmem_shared>>)
      tpu.yield
    }) : () -> ()
    %barrier3A_111 = arith.constant 0 : index
    tpu.barrier barrier_id(%barrier3A_111)
    %add3A_112 = arith.constant 0 : i32
    %add3A_113 = arith.addi %mul3A_8, %add3A_112 : i32
    %add3A_114 = arith.constant 80 : i32
    %add3A_115 = arith.addi %add3A_113, %add3A_114 : i32
    %le3A_116 = arith.constant 10000 : i32
    %le3A_117 = arith.cmpi sle, %add3A_115, %le3A_116 : i32
    %convert_element_type3A_118 = arith.extui %le3A_117 : i1 to i32
    %cond3A_119 = arith.constant 0 : i32
    %cond3A_120 = arith.cmpi ne, %convert_element_type3A_118, %cond3A_119 : i32
    scf.if %cond3A_120 {
      "tpu.region"() ({
        %run_scoped3A = tpu.sem_alloc : memref<!tpu.dma_semaphore, #tpu.memory_space<semaphore_mem>>
        %dma_start3A_189 = arith.constant 0 : i32
        %dma_start3A_190 = tpu.memref_slice %arg7[%arg0, %add3A_113, %dma_start3A_189] : memref<2x10000x144xf32, #tpu.memory_space<hbm>> -> memref<1x80x144xf32, #tpu.memory_space<hbm>>
        %dma_start3A_191 = tpu.memref_squeeze %dma_start3A_190 : memref<1x80x144xf32, #tpu.memory_space<hbm>> -> memref<80x144xf32, #tpu.memory_space<hbm>>
        %dma_start3A_192 = arith.constant 0 : i32
        %dma_start3A_193 = tpu.memref_slice %arg8[%add3A_113, %dma_start3A_192] : memref<10000x144xf32, #tpu.memory_space<vmem_shared>> -> memref<80x144xf32, #tpu.memory_space<vmem_shared>>
        tpu.enqueue_dma source(%dma_start3A_193 : memref<80x144xf32, #tpu.memory_space<vmem_shared>>) target(%dma_start3A_191 : memref<80x144xf32, #tpu.memory_space<hbm>>) target_semaphore(%run_scoped3A : memref<!tpu.dma_semaphore, #tpu.memory_space<semaphore_mem>>)
        %dma_wait3A_194 = arith.constant 0 : i32
        %dma_wait3A_195 = tpu.memref_slice %arg7[%arg0, %add3A_113, %dma_wait3A_194] : memref<2x10000x144xf32, #tpu.memory_space<hbm>> -> memref<1x80x144xf32, #tpu.memory_space<hbm>>
        %dma_wait3A_196 = tpu.memref_squeeze %dma_wait3A_195 : memref<1x80x144xf32, #tpu.memory_space<hbm>> -> memref<80x144xf32, #tpu.memory_space<hbm>>
        %dma_wait3A_197 = arith.constant 0 : i32
        %dma_wait3A_198 = tpu.memref_slice %arg8[%add3A_113, %dma_wait3A_197] : memref<10000x144xf32, #tpu.memory_space<vmem_shared>> -> memref<80x144xf32, #tpu.memory_space<vmem_shared>>
        tpu.wait_dma2 semaphore(%run_scoped3A : memref<!tpu.dma_semaphore, #tpu.memory_space<semaphore_mem>>) src(%dma_wait3A_198 : memref<80x144xf32, #tpu.memory_space<vmem_shared>>) dst(%dma_wait3A_196 : memref<80x144xf32, #tpu.memory_space<hbm>>)
        tpu.yield
      }) : () -> ()
    } else {
    }
    %add3A_121 = arith.constant 80 : i32
    %add3A_122 = arith.addi %mul3A_8, %add3A_121 : i32
    %add3A_123 = arith.constant 80 : i32
    %add3A_124 = arith.addi %add3A_122, %add3A_123 : i32
    %le3A_125 = arith.constant 10000 : i32
    %le3A_126 = arith.cmpi sle, %add3A_124, %le3A_125 : i32
    %convert_element_type3A_127 = arith.extui %le3A_126 : i1 to i32
    %cond3A_128 = arith.constant 0 : i32
    %cond3A_129 = arith.cmpi ne, %convert_element_type3A_127, %cond3A_128 : i32
    scf.if %cond3A_129 {
      "tpu.region"() ({
        %run_scoped3A = tpu.sem_alloc : memref<!tpu.dma_semaphore, #tpu.memory_space<semaphore_mem>>
        %dma_start3A_189 = arith.constant 0 : i32
        %dma_start3A_190 = tpu.memref_slice %arg7[%arg0, %add3A_122, %dma_start3A_189] : memref<2x10000x144xf32, #tpu.memory_space<hbm>> -> memref<1x80x144xf32, #tpu.memory_space<hbm>>
        %dma_start3A_191 = tpu.memref_squeeze %dma_start3A_190 : memref<1x80x144xf32, #tpu.memory_space<hbm>> -> memref<80x144xf32, #tpu.memory_space<hbm>>
        %dma_start3A_192 = arith.constant 0 : i32
        %dma_start3A_193 = tpu.memref_slice %arg8[%add3A_122, %dma_start3A_192] : memref<10000x144xf32, #tpu.memory_space<vmem_shared>> -> memref<80x144xf32, #tpu.memory_space<vmem_shared>>
        tpu.enqueue_dma source(%dma_start3A_193 : memref<80x144xf32, #tpu.memory_space<vmem_shared>>) target(%dma_start3A_191 : memref<80x144xf32, #tpu.memory_space<hbm>>) target_semaphore(%run_scoped3A : memref<!tpu.dma_semaphore, #tpu.memory_space<semaphore_mem>>)
        %dma_wait3A_194 = arith.constant 0 : i32
        %dma_wait3A_195 = tpu.memref_slice %arg7[%arg0, %add3A_122, %dma_wait3A_194] : memref<2x10000x144xf32, #tpu.memory_space<hbm>> -> memref<1x80x144xf32, #tpu.memory_space<hbm>>
        %dma_wait3A_196 = tpu.memref_squeeze %dma_wait3A_195 : memref<1x80x144xf32, #tpu.memory_space<hbm>> -> memref<80x144xf32, #tpu.memory_space<hbm>>
        %dma_wait3A_197 = arith.constant 0 : i32
        %dma_wait3A_198 = tpu.memref_slice %arg8[%add3A_122, %dma_wait3A_197] : memref<10000x144xf32, #tpu.memory_space<vmem_shared>> -> memref<80x144xf32, #tpu.memory_space<vmem_shared>>
        tpu.wait_dma2 semaphore(%run_scoped3A : memref<!tpu.dma_semaphore, #tpu.memory_space<semaphore_mem>>) src(%dma_wait3A_198 : memref<80x144xf32, #tpu.memory_space<vmem_shared>>) dst(%dma_wait3A_196 : memref<80x144xf32, #tpu.memory_space<hbm>>)
        tpu.yield
      }) : () -> ()
    } else {
    }
    %add3A_130 = arith.constant 160 : i32
    %add3A_131 = arith.addi %mul3A_8, %add3A_130 : i32
    %add3A_132 = arith.constant 80 : i32
    %add3A_133 = arith.addi %add3A_131, %add3A_132 : i32
    %le3A_134 = arith.constant 10000 : i32
    %le3A_135 = arith.cmpi sle, %add3A_133, %le3A_134 : i32
    %convert_element_type3A_136 = arith.extui %le3A_135 : i1 to i32
    %cond3A_137 = arith.constant 0 : i32
    %cond3A_138 = arith.cmpi ne, %convert_element_type3A_136, %cond3A_137 : i32
    scf.if %cond3A_138 {
      "tpu.region"() ({
        %run_scoped3A = tpu.sem_alloc : memref<!tpu.dma_semaphore, #tpu.memory_space<semaphore_mem>>
        %dma_start3A_189 = arith.constant 0 : i32
        %dma_start3A_190 = tpu.memref_slice %arg7[%arg0, %add3A_131, %dma_start3A_189] : memref<2x10000x144xf32, #tpu.memory_space<hbm>> -> memref<1x80x144xf32, #tpu.memory_space<hbm>>
        %dma_start3A_191 = tpu.memref_squeeze %dma_start3A_190 : memref<1x80x144xf32, #tpu.memory_space<hbm>> -> memref<80x144xf32, #tpu.memory_space<hbm>>
        %dma_start3A_192 = arith.constant 0 : i32
        %dma_start3A_193 = tpu.memref_slice %arg8[%add3A_131, %dma_start3A_192] : memref<10000x144xf32, #tpu.memory_space<vmem_shared>> -> memref<80x144xf32, #tpu.memory_space<vmem_shared>>
        tpu.enqueue_dma source(%dma_start3A_193 : memref<80x144xf32, #tpu.memory_space<vmem_shared>>) target(%dma_start3A_191 : memref<80x144xf32, #tpu.memory_space<hbm>>) target_semaphore(%run_scoped3A : memref<!tpu.dma_semaphore, #tpu.memory_space<semaphore_mem>>)
        %dma_wait3A_194 = arith.constant 0 : i32
        %dma_wait3A_195 = tpu.memref_slice %arg7[%arg0, %add3A_131, %dma_wait3A_194] : memref<2x10000x144xf32, #tpu.memory_space<hbm>> -> memref<1x80x144xf32, #tpu.memory_space<hbm>>
        %dma_wait3A_196 = tpu.memref_squeeze %dma_wait3A_195 : memref<1x80x144xf32, #tpu.memory_space<hbm>> -> memref<80x144xf32, #tpu.memory_space<hbm>>
        %dma_wait3A_197 = arith.constant 0 : i32
        %dma_wait3A_198 = tpu.memref_slice %arg8[%add3A_131, %dma_wait3A_197] : memref<10000x144xf32, #tpu.memory_space<vmem_shared>> -> memref<80x144xf32, #tpu.memory_space<vmem_shared>>
        tpu.wait_dma2 semaphore(%run_scoped3A : memref<!tpu.dma_semaphore, #tpu.memory_space<semaphore_mem>>) src(%dma_wait3A_198 : memref<80x144xf32, #tpu.memory_space<vmem_shared>>) dst(%dma_wait3A_196 : memref<80x144xf32, #tpu.memory_space<hbm>>)
        tpu.yield
      }) : () -> ()
    } else {
    }
    %add3A_139 = arith.constant 240 : i32
    %add3A_140 = arith.addi %mul3A_8, %add3A_139 : i32
    %add3A_141 = arith.constant 80 : i32
    %add3A_142 = arith.addi %add3A_140, %add3A_141 : i32
    %le3A_143 = arith.constant 10000 : i32
    %le3A_144 = arith.cmpi sle, %add3A_142, %le3A_143 : i32
    %convert_element_type3A_145 = arith.extui %le3A_144 : i1 to i32
    %cond3A_146 = arith.constant 0 : i32
    %cond3A_147 = arith.cmpi ne, %convert_element_type3A_145, %cond3A_146 : i32
    scf.if %cond3A_147 {
      "tpu.region"() ({
        %run_scoped3A = tpu.sem_alloc : memref<!tpu.dma_semaphore, #tpu.memory_space<semaphore_mem>>
        %dma_start3A_189 = arith.constant 0 : i32
        %dma_start3A_190 = tpu.memref_slice %arg7[%arg0, %add3A_140, %dma_start3A_189] : memref<2x10000x144xf32, #tpu.memory_space<hbm>> -> memref<1x80x144xf32, #tpu.memory_space<hbm>>
        %dma_start3A_191 = tpu.memref_squeeze %dma_start3A_190 : memref<1x80x144xf32, #tpu.memory_space<hbm>> -> memref<80x144xf32, #tpu.memory_space<hbm>>
        %dma_start3A_192 = arith.constant 0 : i32
        %dma_start3A_193 = tpu.memref_slice %arg8[%add3A_140, %dma_start3A_192] : memref<10000x144xf32, #tpu.memory_space<vmem_shared>> -> memref<80x144xf32, #tpu.memory_space<vmem_shared>>
        tpu.enqueue_dma source(%dma_start3A_193 : memref<80x144xf32, #tpu.memory_space<vmem_shared>>) target(%dma_start3A_191 : memref<80x144xf32, #tpu.memory_space<hbm>>) target_semaphore(%run_scoped3A : memref<!tpu.dma_semaphore, #tpu.memory_space<semaphore_mem>>)
        %dma_wait3A_194 = arith.constant 0 : i32
        %dma_wait3A_195 = tpu.memref_slice %arg7[%arg0, %add3A_140, %dma_wait3A_194] : memref<2x10000x144xf32, #tpu.memory_space<hbm>> -> memref<1x80x144xf32, #tpu.memory_space<hbm>>
        %dma_wait3A_196 = tpu.memref_squeeze %dma_wait3A_195 : memref<1x80x144xf32, #tpu.memory_space<hbm>> -> memref<80x144xf32, #tpu.memory_space<hbm>>
        %dma_wait3A_197 = arith.constant 0 : i32
        %dma_wait3A_198 = tpu.memref_slice %arg8[%add3A_140, %dma_wait3A_197] : memref<10000x144xf32, #tpu.memory_space<vmem_shared>> -> memref<80x144xf32, #tpu.memory_space<vmem_shared>>
        tpu.wait_dma2 semaphore(%run_scoped3A : memref<!tpu.dma_semaphore, #tpu.memory_space<semaphore_mem>>) src(%dma_wait3A_198 : memref<80x144xf32, #tpu.memory_space<vmem_shared>>) dst(%dma_wait3A_196 : memref<80x144xf32, #tpu.memory_space<hbm>>)
        tpu.yield
      }) : () -> ()
    } else {
    }
    %add3A_148 = arith.constant 320 : i32
    %add3A_149 = arith.addi %mul3A_8, %add3A_148 : i32
    %add3A_150 = arith.constant 80 : i32
    %add3A_151 = arith.addi %add3A_149, %add3A_150 : i32
    %le3A_152 = arith.constant 10000 : i32
    %le3A_153 = arith.cmpi sle, %add3A_151, %le3A_152 : i32
    %convert_element_type3A_154 = arith.extui %le3A_153 : i1 to i32
    %cond3A_155 = arith.constant 0 : i32
    %cond3A_156 = arith.cmpi ne, %convert_element_type3A_154, %cond3A_155 : i32
    scf.if %cond3A_156 {
      "tpu.region"() ({
        %run_scoped3A = tpu.sem_alloc : memref<!tpu.dma_semaphore, #tpu.memory_space<semaphore_mem>>
        %dma_start3A_189 = arith.constant 0 : i32
        %dma_start3A_190 = tpu.memref_slice %arg7[%arg0, %add3A_149, %dma_start3A_189] : memref<2x10000x144xf32, #tpu.memory_space<hbm>> -> memref<1x80x144xf32, #tpu.memory_space<hbm>>
        %dma_start3A_191 = tpu.memref_squeeze %dma_start3A_190 : memref<1x80x144xf32, #tpu.memory_space<hbm>> -> memref<80x144xf32, #tpu.memory_space<hbm>>
        %dma_start3A_192 = arith.constant 0 : i32
        %dma_start3A_193 = tpu.memref_slice %arg8[%add3A_149, %dma_start3A_192] : memref<10000x144xf32, #tpu.memory_space<vmem_shared>> -> memref<80x144xf32, #tpu.memory_space<vmem_shared>>
        tpu.enqueue_dma source(%dma_start3A_193 : memref<80x144xf32, #tpu.memory_space<vmem_shared>>) target(%dma_start3A_191 : memref<80x144xf32, #tpu.memory_space<hbm>>) target_semaphore(%run_scoped3A : memref<!tpu.dma_semaphore, #tpu.memory_space<semaphore_mem>>)
        %dma_wait3A_194 = arith.constant 0 : i32
        %dma_wait3A_195 = tpu.memref_slice %arg7[%arg0, %add3A_149, %dma_wait3A_194] : memref<2x10000x144xf32, #tpu.memory_space<hbm>> -> memref<1x80x144xf32, #tpu.memory_space<hbm>>
        %dma_wait3A_196 = tpu.memref_squeeze %dma_wait3A_195 : memref<1x80x144xf32, #tpu.memory_space<hbm>> -> memref<80x144xf32, #tpu.memory_space<hbm>>
        %dma_wait3A_197 = arith.constant 0 : i32
        %dma_wait3A_198 = tpu.memref_slice %arg8[%add3A_149, %dma_wait3A_197] : memref<10000x144xf32, #tpu.memory_space<vmem_shared>> -> memref<80x144xf32, #tpu.memory_space<vmem_shared>>
        tpu.wait_dma2 semaphore(%run_scoped3A : memref<!tpu.dma_semaphore, #tpu.memory_space<semaphore_mem>>) src(%dma_wait3A_198 : memref<80x144xf32, #tpu.memory_space<vmem_shared>>) dst(%dma_wait3A_196 : memref<80x144xf32, #tpu.memory_space<hbm>>)
        tpu.yield
      }) : () -> ()
    } else {
    }
    %add3A_157 = arith.constant 400 : i32
    %add3A_158 = arith.addi %mul3A_8, %add3A_157 : i32
    %add3A_159 = arith.constant 80 : i32
    %add3A_160 = arith.addi %add3A_158, %add3A_159 : i32
    %le3A_161 = arith.constant 10000 : i32
    %le3A_162 = arith.cmpi sle, %add3A_160, %le3A_161 : i32
    %convert_element_type3A_163 = arith.extui %le3A_162 : i1 to i32
    %cond3A_164 = arith.constant 0 : i32
    %cond3A_165 = arith.cmpi ne, %convert_element_type3A_163, %cond3A_164 : i32
    scf.if %cond3A_165 {
      "tpu.region"() ({
        %run_scoped3A = tpu.sem_alloc : memref<!tpu.dma_semaphore, #tpu.memory_space<semaphore_mem>>
        %dma_start3A_189 = arith.constant 0 : i32
        %dma_start3A_190 = tpu.memref_slice %arg7[%arg0, %add3A_158, %dma_start3A_189] : memref<2x10000x144xf32, #tpu.memory_space<hbm>> -> memref<1x80x144xf32, #tpu.memory_space<hbm>>
        %dma_start3A_191 = tpu.memref_squeeze %dma_start3A_190 : memref<1x80x144xf32, #tpu.memory_space<hbm>> -> memref<80x144xf32, #tpu.memory_space<hbm>>
        %dma_start3A_192 = arith.constant 0 : i32
        %dma_start3A_193 = tpu.memref_slice %arg8[%add3A_158, %dma_start3A_192] : memref<10000x144xf32, #tpu.memory_space<vmem_shared>> -> memref<80x144xf32, #tpu.memory_space<vmem_shared>>
        tpu.enqueue_dma source(%dma_start3A_193 : memref<80x144xf32, #tpu.memory_space<vmem_shared>>) target(%dma_start3A_191 : memref<80x144xf32, #tpu.memory_space<hbm>>) target_semaphore(%run_scoped3A : memref<!tpu.dma_semaphore, #tpu.memory_space<semaphore_mem>>)
        %dma_wait3A_194 = arith.constant 0 : i32
        %dma_wait3A_195 = tpu.memref_slice %arg7[%arg0, %add3A_158, %dma_wait3A_194] : memref<2x10000x144xf32, #tpu.memory_space<hbm>> -> memref<1x80x144xf32, #tpu.memory_space<hbm>>
        %dma_wait3A_196 = tpu.memref_squeeze %dma_wait3A_195 : memref<1x80x144xf32, #tpu.memory_space<hbm>> -> memref<80x144xf32, #tpu.memory_space<hbm>>
        %dma_wait3A_197 = arith.constant 0 : i32
        %dma_wait3A_198 = tpu.memref_slice %arg8[%add3A_158, %dma_wait3A_197] : memref<10000x144xf32, #tpu.memory_space<vmem_shared>> -> memref<80x144xf32, #tpu.memory_space<vmem_shared>>
        tpu.wait_dma2 semaphore(%run_scoped3A : memref<!tpu.dma_semaphore, #tpu.memory_space<semaphore_mem>>) src(%dma_wait3A_198 : memref<80x144xf32, #tpu.memory_space<vmem_shared>>) dst(%dma_wait3A_196 : memref<80x144xf32, #tpu.memory_space<hbm>>)
        tpu.yield
      }) : () -> ()
    } else {
    }
    %add3A_166 = arith.constant 480 : i32
    %add3A_167 = arith.addi %mul3A_8, %add3A_166 : i32
    %add3A_168 = arith.constant 80 : i32
    %add3A_169 = arith.addi %add3A_167, %add3A_168 : i32
    %le3A_170 = arith.constant 10000 : i32
    %le3A_171 = arith.cmpi sle, %add3A_169, %le3A_170 : i32
    %convert_element_type3A_172 = arith.extui %le3A_171 : i1 to i32
    %cond3A_173 = arith.constant 0 : i32
    %cond3A_174 = arith.cmpi ne, %convert_element_type3A_172, %cond3A_173 : i32
    scf.if %cond3A_174 {
      "tpu.region"() ({
        %run_scoped3A = tpu.sem_alloc : memref<!tpu.dma_semaphore, #tpu.memory_space<semaphore_mem>>
        %dma_start3A_189 = arith.constant 0 : i32
        %dma_start3A_190 = tpu.memref_slice %arg7[%arg0, %add3A_167, %dma_start3A_189] : memref<2x10000x144xf32, #tpu.memory_space<hbm>> -> memref<1x80x144xf32, #tpu.memory_space<hbm>>
        %dma_start3A_191 = tpu.memref_squeeze %dma_start3A_190 : memref<1x80x144xf32, #tpu.memory_space<hbm>> -> memref<80x144xf32, #tpu.memory_space<hbm>>
        %dma_start3A_192 = arith.constant 0 : i32
        %dma_start3A_193 = tpu.memref_slice %arg8[%add3A_167, %dma_start3A_192] : memref<10000x144xf32, #tpu.memory_space<vmem_shared>> -> memref<80x144xf32, #tpu.memory_space<vmem_shared>>
        tpu.enqueue_dma source(%dma_start3A_193 : memref<80x144xf32, #tpu.memory_space<vmem_shared>>) target(%dma_start3A_191 : memref<80x144xf32, #tpu.memory_space<hbm>>) target_semaphore(%run_scoped3A : memref<!tpu.dma_semaphore, #tpu.memory_space<semaphore_mem>>)
        %dma_wait3A_194 = arith.constant 0 : i32
        %dma_wait3A_195 = tpu.memref_slice %arg7[%arg0, %add3A_167, %dma_wait3A_194] : memref<2x10000x144xf32, #tpu.memory_space<hbm>> -> memref<1x80x144xf32, #tpu.memory_space<hbm>>
        %dma_wait3A_196 = tpu.memref_squeeze %dma_wait3A_195 : memref<1x80x144xf32, #tpu.memory_space<hbm>> -> memref<80x144xf32, #tpu.memory_space<hbm>>
        %dma_wait3A_197 = arith.constant 0 : i32
        %dma_wait3A_198 = tpu.memref_slice %arg8[%add3A_167, %dma_wait3A_197] : memref<10000x144xf32, #tpu.memory_space<vmem_shared>> -> memref<80x144xf32, #tpu.memory_space<vmem_shared>>
        tpu.wait_dma2 semaphore(%run_scoped3A : memref<!tpu.dma_semaphore, #tpu.memory_space<semaphore_mem>>) src(%dma_wait3A_198 : memref<80x144xf32, #tpu.memory_space<vmem_shared>>) dst(%dma_wait3A_196 : memref<80x144xf32, #tpu.memory_space<hbm>>)
        tpu.yield
      }) : () -> ()
    } else {
    }
    %add3A_175 = arith.constant 560 : i32
    %add3A_176 = arith.addi %mul3A_8, %add3A_175 : i32
    %add3A_177 = arith.constant 80 : i32
    %add3A_178 = arith.addi %add3A_176, %add3A_177 : i32
    %le3A_179 = arith.constant 10000 : i32
    %le3A_180 = arith.cmpi sle, %add3A_178, %le3A_179 : i32
    %convert_element_type3A_181 = arith.extui %le3A_180 : i1 to i32
    %cond3A_182 = arith.constant 0 : i32
    %cond3A_183 = arith.cmpi ne, %convert_element_type3A_181, %cond3A_182 : i32
    scf.if %cond3A_183 {
      "tpu.region"() ({
        %run_scoped3A = tpu.sem_alloc : memref<!tpu.dma_semaphore, #tpu.memory_space<semaphore_mem>>
        %dma_start3A_189 = arith.constant 0 : i32
        %dma_start3A_190 = tpu.memref_slice %arg7[%arg0, %add3A_176, %dma_start3A_189] : memref<2x10000x144xf32, #tpu.memory_space<hbm>> -> memref<1x80x144xf32, #tpu.memory_space<hbm>>
        %dma_start3A_191 = tpu.memref_squeeze %dma_start3A_190 : memref<1x80x144xf32, #tpu.memory_space<hbm>> -> memref<80x144xf32, #tpu.memory_space<hbm>>
        %dma_start3A_192 = arith.constant 0 : i32
        %dma_start3A_193 = tpu.memref_slice %arg8[%add3A_176, %dma_start3A_192] : memref<10000x144xf32, #tpu.memory_space<vmem_shared>> -> memref<80x144xf32, #tpu.memory_space<vmem_shared>>
        tpu.enqueue_dma source(%dma_start3A_193 : memref<80x144xf32, #tpu.memory_space<vmem_shared>>) target(%dma_start3A_191 : memref<80x144xf32, #tpu.memory_space<hbm>>) target_semaphore(%run_scoped3A : memref<!tpu.dma_semaphore, #tpu.memory_space<semaphore_mem>>)
        %dma_wait3A_194 = arith.constant 0 : i32
        %dma_wait3A_195 = tpu.memref_slice %arg7[%arg0, %add3A_176, %dma_wait3A_194] : memref<2x10000x144xf32, #tpu.memory_space<hbm>> -> memref<1x80x144xf32, #tpu.memory_space<hbm>>
        %dma_wait3A_196 = tpu.memref_squeeze %dma_wait3A_195 : memref<1x80x144xf32, #tpu.memory_space<hbm>> -> memref<80x144xf32, #tpu.memory_space<hbm>>
        %dma_wait3A_197 = arith.constant 0 : i32
        %dma_wait3A_198 = tpu.memref_slice %arg8[%add3A_176, %dma_wait3A_197] : memref<10000x144xf32, #tpu.memory_space<vmem_shared>> -> memref<80x144xf32, #tpu.memory_space<vmem_shared>>
        tpu.wait_dma2 semaphore(%run_scoped3A : memref<!tpu.dma_semaphore, #tpu.memory_space<semaphore_mem>>) src(%dma_wait3A_198 : memref<80x144xf32, #tpu.memory_space<vmem_shared>>) dst(%dma_wait3A_196 : memref<80x144xf32, #tpu.memory_space<hbm>>)
        tpu.yield
      }) : () -> ()
    } else {
    }
    %eq3A_184 = arith.constant 15 : i32
    %eq3A_185 = arith.cmpi eq, %arg1, %eq3A_184 : i32
    %convert_element_type3A_186 = arith.extui %eq3A_185 : i1 to i32
    %cond3A_187 = arith.constant 0 : i32
    %cond3A_188 = arith.cmpi ne, %convert_element_type3A_186, %cond3A_187 : i32
    scf.if %cond3A_188 {
      "tpu.region"() ({
        %run_scoped3A = tpu.sem_alloc : memref<!tpu.dma_semaphore, #tpu.memory_space<semaphore_mem>>
        %dma_start3A_189 = arith.constant 9960 : i32
        %dma_start3A_190 = arith.constant 0 : i32
        %dma_start3A_191 = tpu.memref_slice %arg7[%arg0, %dma_start3A_189, %dma_start3A_190] : memref<2x10000x144xf32, #tpu.memory_space<hbm>> -> memref<1x40x144xf32, #tpu.memory_space<hbm>>
        %dma_start3A_192 = tpu.memref_squeeze %dma_start3A_191 : memref<1x40x144xf32, #tpu.memory_space<hbm>> -> memref<40x144xf32, #tpu.memory_space<hbm>>
        %dma_start3A_193 = arith.constant 9960 : i32
        %dma_start3A_194 = arith.constant 0 : i32
        %dma_start3A_195 = tpu.memref_slice %arg8[%dma_start3A_193, %dma_start3A_194] : memref<10000x144xf32, #tpu.memory_space<vmem_shared>> -> memref<40x144xf32, #tpu.memory_space<vmem_shared>>
        tpu.enqueue_dma source(%dma_start3A_195 : memref<40x144xf32, #tpu.memory_space<vmem_shared>>) target(%dma_start3A_192 : memref<40x144xf32, #tpu.memory_space<hbm>>) target_semaphore(%run_scoped3A : memref<!tpu.dma_semaphore, #tpu.memory_space<semaphore_mem>>)
        %dma_wait3A_196 = arith.constant 9960 : i32
        %dma_wait3A_197 = arith.constant 0 : i32
        %dma_wait3A_198 = tpu.memref_slice %arg7[%arg0, %dma_wait3A_196, %dma_wait3A_197] : memref<2x10000x144xf32, #tpu.memory_space<hbm>> -> memref<1x40x144xf32, #tpu.memory_space<hbm>>
        %dma_wait3A_199 = tpu.memref_squeeze %dma_wait3A_198 : memref<1x40x144xf32, #tpu.memory_space<hbm>> -> memref<40x144xf32, #tpu.memory_space<hbm>>
        %dma_wait3A_200 = arith.constant 9960 : i32
        %dma_wait3A_201 = arith.constant 0 : i32
        %dma_wait3A_202 = tpu.memref_slice %arg8[%dma_wait3A_200, %dma_wait3A_201] : memref<10000x144xf32, #tpu.memory_space<vmem_shared>> -> memref<40x144xf32, #tpu.memory_space<vmem_shared>>
        tpu.wait_dma2 semaphore(%run_scoped3A : memref<!tpu.dma_semaphore, #tpu.memory_space<semaphore_mem>>) src(%dma_wait3A_202 : memref<40x144xf32, #tpu.memory_space<vmem_shared>>) dst(%dma_wait3A_199 : memref<40x144xf32, #tpu.memory_space<hbm>>)
        tpu.yield
      }) : () -> ()
    } else {
    }
    return
  }
}

</mosaic_0001>

<sc_bundles>
// kernel: _edge_pass.3.cloned.1.call-start
scs
__scs_entry_jumppad:
0x0: {  	(pc) =	sbr.rel $0x88, $3  }
0x1: {  	(tag) =	ssettag $0x0;
	lr =	simm.s32 $0x1  }
0x2: {  	[smem:$0x3F9C] =	sst lr;
	_ =	strace $0xD0000000  }
0x3: {  	_ = 	snop  }
0x4: {  	_ = 	snop  }
0x5: {  	_ = 	snop  }
0x6: {  	_ = 	snop  }
0x7: {  	_ = 	snop  }
__scs_overlays_trampoline_lowered:
0x8: {  	[smem:$0x3FAB] =	sst s0  }
0x9: {  	[smem:$0x3FAC] =	sst s1  }
0xa: {  	[smem:$0x3FAD] =	sst s2  }
0xb: {  	[smem:$0x3FAE] =	sst s3  }
0xc: {  	[smem:$0x3FAF] =	sst s4  }
0xd: {  	[smem:$0x3FB0] =	sst s5  }
0xe: {  	[smem:$0x3FB1] =	sst s6  }
0xf: {  	[smem:$0x3FB2] =	sst s7  }
0x10: {  	[smem:$0x3FB3] =	sst s8  }
0x11: {  	[smem:$0x3FB4] =	sst s9;
	s0 =	simm.s32 @!p0 $0x0  }
0x12: {  	s1 =	sld [smem:$0x3F9A];
	s0 =	simm.s32 @p0 $0x1  }
0x13: {  	[smem:$0x3FB5] =	sst s0;
	s0 =	simm.s32 @!p1 $0x0  }
0x14: {  	s2 =	sld [smem:$0x3F99];
	s0 =	simm.s32 @p1 $0x1  }
0x15: {  	[smem:$0x3FB6] =	sst s0;
	s0 =	simm.s32 @!p2 $0x0  }
0x16: {  	s3 =	sld [smem:$0x3FDB];
	s0 =	simm.s32 @p2 $0x1  }
0x17: {  	s4 =	simm.s32 $0x1BF5;
	[smem:$0x3FB8] =	sst s0  }
0x18: {  	s0 =	sld [smem:$0x3F9B];
	_ =	swait.ge [sflag:s4], $0x0  }
0x19: {  	s7 =	sld [smem:$0x3F9C]  }
0x1a: {  	s8 =	sadd.s32 $0xFFFFE003, lr  }
0x1b: {  	s9 =	sadd.s32 $0xFFFFFEF7, lr;
	s5 =	simm.s32 $0xFFFFFFFF;
	p2 =	slt.u32 s8, $0xFFFFF086  }
0x1c: {  	p1 =	slt.u32 s9, $0xF7A;
	s5 =	simm.s32 @!p2 $0x0  }
0x1d: {  	s5 =	simm.s32 @p1 $0x1;
	p0 =	seq.s32 s7, s2  }
0x1e: {  	s7 =	smul.u32 @!p0 $0xF7A, s2;
	p2 =	seq.s32 @!p0 s5, $0x0  }
0x1f: {  	s9 =	smul.u32 $0xF7A, s1;
	s8 =	simm.s32 @!p0 $0x1BF5;
	p2 =	por !p2, p0  }
0x20: {  	[sflag:s8] =	ssyncset.s32 @!p0 $0xFFFFF086;
	s6 =	sadd.s32 @!p0 s3, s7;
	s7 =	simm.s32 @!p0 $0x108  }
0x21: {  	s3 =	sadd.s32 s3, s9;
	s6 =	sadd.s32 @!p0 $0x88, s6;
	s7 =	simm.s32 @p2 $0x1082  }
0x22: {  	[simem:s7], [sflag:s8] =	dma.local @!p0 [hbm:s6], $0xF7A  }
0x23: {  	s9 =	sor.u32 $0xD0000000, s2;
	s6 =	simm.s32 $0x108;
	_ =	swait.ge @!p0 [sflag:s8], $0x0  }
0x24: {  	s3 =	sadd.s32 $0x88, s3;
	s6 =	simm.s32 @!p1 $0x1082;
	[sflag:s4] =	ssyncset.s32 $0xFFFFF086  }
0x25: {  	[simem:s6], [sflag:s4] =	dma.local [hbm:s3], $0xF7A  }
0x26: {  	[smem:$0x3F9C] =	sst s1;
	(tag) =	ssettag s2;
	_ =	strace s9  }
0x27: {  	s1 =	sld [smem:$0x3FAC]  }
0x28: {  	s2 =	sld [smem:$0x3FAD]  }
0x29: {  	s4 =	sld [smem:$0x3FAF]  }
0x2a: {  	p0 =	seq.s32 s5, $0x0;
	s5 =	sld [smem:$0x3FB0]  }
0x2b: {  	s6 =	sld [smem:$0x3FB1]  }
0x2c: {  	s7 =	sld [smem:$0x3FB2]  }
0x2d: {  	s3 =	simm.s32 $0x108;
	s8 =	sld [smem:$0x3FB3]  }
0x2e: {  	s3 =	simm.s32 @!p0 $0x1082;
	s9 =	sld [smem:$0x3FB4]  }
0x2f: {  	lr =	sadd.s32 s0, s3;
	s0 =	sld [smem:$0x3FAB]  }
0x30: {  	s3 =	sld [smem:$0x3FAE]  }
0x31: {  	[smem:$0x3FB7] =	sst s10  }
0x32: {  	s10 =	sld [smem:$0x3FB5];
	_ =	sdelay $0x3  }
0x33: {  	p0 =	seq.s32 s10, $0x1;
	s10 =	sld [smem:$0x3FB7];
	_ =	sdelay $0x3  }
0x34: {  	[smem:$0x3FB7] =	sst s10  }
0x35: {  	s10 =	sld [smem:$0x3FB6];
	_ =	sdelay $0x3  }
0x36: {  	p1 =	seq.s32 s10, $0x1;
	s10 =	sld [smem:$0x3FB7];
	_ =	sdelay $0x3  }
0x37: {  	[smem:$0x3FB7] =	sst s10  }
0x38: {  	s10 =	sld [smem:$0x3FB8]  }
0x39: {  	_ = 	snop;
	(pc) =	sbr.ind lr, $3  }
0x3a: {  	_ = 	snop  }
0x3b: {  	_ = 	snop  }
0x3c: {  	p2 =	seq.s32 s10, $0x1;
	s10 =	sld [smem:$0x3FB7]  }
0x3d: {  	_ =	shalt  }
0x3e: {  	_ =	shalt  }
0x3f: {  	_ =	shalt  }
0x40: {  	_ =	shalt  }
0x41: {  	_ =	shalt  }
0x42: {  	_ =	shalt  }
0x43: {  	_ =	shalt  }
0x44: {  	_ =	shalt  }
0x45: {  	_ =	shalt  }
0x46: {  	_ =	shalt  }
0x47: {  	_ =	shalt  }
0x48: {  	_ =	shalt  }
0x49: {  	_ =	shalt  }
0x4a: {  	_ =	shalt  }
0x4b: {  	_ =	shalt  }
0x4c: {  	_ =	shalt  }
0x4d: {  	_ =	shalt  }
0x4e: {  	_ =	shalt  }
0x4f: {  	_ =	shalt  }
0x50: {  	_ =	shalt  }
0x51: {  	_ =	shalt  }
0x52: {  	_ =	shalt  }
0x53: {  	_ =	shalt  }
0x54: {  	_ =	shalt  }
0x55: {  	_ =	shalt  }
0x56: {  	_ =	shalt  }
0x57: {  	_ =	shalt  }
0x58: {  	_ =	shalt  }
0x59: {  	_ =	shalt  }
0x5a: {  	_ =	shalt  }
0x5b: {  	_ =	shalt  }
0x5c: {  	_ =	shalt  }
0x5d: {  	_ =	shalt  }
0x5e: {  	_ =	shalt  }
0x5f: {  	_ =	shalt  }
0x60: {  	_ =	shalt  }
0x61: {  	_ =	shalt  }
0x62: {  	_ =	shalt  }
0x63: {  	_ =	shalt  }
0x64: {  	_ =	shalt  }
0x65: {  	_ =	shalt  }
0x66: {  	_ =	shalt  }
0x67: {  	_ =	shalt  }
0x68: {  	_ =	shalt  }
0x69: {  	_ =	shalt  }
0x6a: {  	_ =	shalt  }
0x6b: {  	_ =	shalt  }
0x6c: {  	_ =	shalt  }
0x6d: {  	_ =	shalt  }
0x6e: {  	_ =	shalt  }
0x6f: {  	_ =	shalt  }
0x70: {  	_ =	shalt  }
0x71: {  	_ =	shalt  }
0x72: {  	_ =	shalt  }
0x73: {  	_ =	shalt  }
0x74: {  	_ =	shalt  }
0x75: {  	_ =	shalt  }
0x76: {  	_ =	shalt  }
0x77: {  	_ =	shalt  }
0x78: {  	_ =	shalt  }
0x79: {  	_ =	shalt  }
0x7a: {  	_ =	shalt  }
0x7b: {  	_ =	shalt  }
0x7c: {  	_ =	shalt  }
0x7d: {  	_ =	shalt  }
0x7e: {  	_ =	shalt  }
0x7f: {  	_ =	shalt  }
0x80: {  	_ =	shalt  }
0x81: {  	_ =	shalt  }
0x82: {  	_ =	shalt  }
0x83: {  	_ =	shalt  }
0x84: {  	_ =	shalt  }
0x85: {  	_ =	shalt  }
0x86: {  	_ =	shalt  }
0x87: {  	_ =	shalt  }
.Lfunc_end0:
.L_simem_size_0:
called_computation_lowered:
.L_overlay_start_0:
0x88: {  	s2 =	sld [smem:$0x3FD9]  }
0x89: {  	s3 =	sld [smem:$0x3FFE];
	_ =	sdelay $0x1  }
0x8a: {  	s1 =	srdreg.scid  }
0x8b: {  	s0 =	sand.u32 $0x1, s1  }
0x8c: {  	s17 =	sshll.u32 s0, $0xA;
	s2 =	sadd.s32 s3, s2  }
0x8d: {  	s2 =	sadd.s32 s2, s17  }
0x8e: {  	[smem:$0x3FC3] =	sst s2  }
0x8f: {  	_ = 	snop  }
0x90: {  	s2 =	sld [smem:$0x3FC7]  }
0x91: {  	s18 =	sld [smem:$0x3FC6]  }
0x92: {  	s4 =	sld [smem:$0x3FC5]  }
0x93: {  	s5 =	sld [smem:$0x3FD0];
	(tm) =	ssettm $0x1  }
0x94: {  	s6 =	sld [smem:$0x3FFB];
	_ =	sdelay $0x3  }
0x95: {  	_ =	strace s6  }
0x96: {  	s6 =	sld [smem:$0x3FFC];
	_ =	sdelay $0x3  }
0x97: {  	_ =	strace s6  }
0x98: {  	s6 =	sld [smem:$0x3FFD];
	_ =	sdelay $0x3  }
0x99: {  	_ =	strace s6  }
0x9a: {  	_ =	strace $0x8FFFFFFF  }
0x9b: {  	s19 =	sld [smem:$0x3FDB];
	_ =	sdelay $0x1  }
0x9c: {  	s7 =	simm.s32 $_scs_section_size  }
0x9d: {  	s8 =	simm.s32 $_size__tile_overlayer_lowered;
	s9 =	simm.s32 $_tile_overlayer_lowered  }
0x9e: {  	s22 =	simm.s32 $0x1BFF;
	s21 =	sshll.u32 s9, $0x1;
	s6 =	sadd.s32 s7, s19  }
0x9f: {  	s10 =	simm.s32 $0x0;
	s20 =	sshll.u32 s8, $0x1;
	s8 =	sadd.s32 s21, s6  }
0xa0: {  	[timem:s10], [sflag:s22] =	dma.local [hbm:s8], s20  }
0xa1: {  	_ =	swait.ge [sflag:s22], s20  }
0xa2: {  	s7 =	ssub.s32 $0x0, s20;
	[sflag:s22] =	ssyncset.done $0x0  }
0xa3: {  	[sflag:s22] =	ssyncadd.s32 s7;
	_ =	sdelay $0x1  }
0xa4: {  	s23 =	simm.s32 $0x1B8B  }
0xa5: {  	_ =	swait.ge [sflag:s23], $0x1  }
0xa6: {  	[sflag:s23] =	ssyncset.done $0x0  }
0xa7: {  	s25 =	simm.s32 $0x1B8E;
	s24 =	sld [smem:$0x3FFE];
	[sflag:s23] =	ssyncadd.s32 $0xFFFFFFFF  }
0xa8: {  	s26 =	simm.s32 $execute0_lowered;
	[smem:$0x3FD2] =	sst s25  }
0xa9: {  	s8 =	sshll.u32 s26, $0x1;
	_ =	strace $0x80000046;
	[dreg:$0x1] =	wrdreg $0xFFFFFFFF  }
0xaa: {  	s28 =	simm.s32 $_size_execute0_lowered;
	s6 =	sadd.s32 s6, s8;
	[dreg:$0x0] =	wrdreg $0x0  }
0xab: {  	s8 =	sshll.u32 s28, $0x1;
	[dreg:$0x2] =	wrdreg s6  }
0xac: {  	[dreg:$0x3] =	wrdreg s8  }
0xad: {  	[dreg:$0x4] =	wrdreg $0xC0  }
0xae: {  	_ =	task [dreg:s10], $0x5FFFF  }
0xaf: {  	[dreg:$0x1] =	wrdreg $0xFFFFFFFF  }
0xb0: {  	[dreg:$0x0] =	wrdreg $0x60  }
0xb1: {  	[dreg:$0x2] =	wrdreg s24  }
0xb2: {  	[dreg:$0x3] =	wrdreg s2  }
0xb3: {  	[dreg:$0x4] =	wrdreg s18  }
0xb4: {  	[dreg:$0x5] =	wrdreg s4  }
0xb5: {  	[dreg:$0x6] =	wrdreg s5  }
0xb6: {  	[dreg:$0x7] =	wrdreg $0x0  }
0xb7: {  	[dreg:$0x8] =	wrdreg $0x9  }
0xb8: {  	_ =	task.clear_ibuf [dreg:s10], $0x9FFFF;
	_ =	strace $0x90000046  }
0xb9: {  	s29 =	simm.s32 $0x9;
	_ =	strace $0x80000048  }
0xba: {  	_ =	swait.ge [sflag:s29], $0x1  }
0xbb: {  	[sflag:s29] =	ssyncadd.s32 $0xFFFFFFFF  }
0xbc: {  	_ =	strace $0x90000048  }
0xbd: {  	_ =	sfence  }
0xbe: {  	s30 =	sld [smem:$0x0];
	_ =	sdelay $0x2  }
0xbf: {  	s31 =	sshll.u32 s1, $0xD;
	s1 =	sshrl.u32 s1, $0x2  }
0xc0: {  	s3 =	sand.u32 $0x4000, s31;
	s1 =	sadd.s32 s1, s30  }
0xc1: {  	s0 =	sor.u32 s3, s0;
	s1 =	sshll.u32 s1, $0x11  }
0xc2: {  	s0 =	sor.u32 s1, s0  }
0xc3: {  	s0 =	sadd.s32 $0x8F2B, s0  }
0xc4: {  	[sflag:s0] =	ssyncadd.remote.s32 $0x1  }
0xc5: {  	_ =	sfence.sel $0xFFFF  }
0xc6: {  	[dreg:$0x0] =	wrdreg $0xFFFFFFFF;
	(pc) =	sbr.abs _section_cstart, $3  }
0xc7: {  	[dreg:$0x1] =	wrdreg $0xFFFFFFFF  }
0xc8: {  	_ =	task.clear_ibuf [dreg:s10], $0x2FFFF;
	_ =	strace $0x9FFFFFFF  }
0xc9: {  	(tm) =	ssettm $0x7FFFFFFF  }
tec
execute0_lowered:
.L_overlay_start_1:
0x0: {  	(tag) =	ssettag $0x1  }
0x1: {  	s8 =	rddreg [dreg:$0x0]  }
0x2: {  	s1 =	rddreg [dreg:$0x1]  }
0x3: {  	s0 =	srdreg.scid;
	s2 =	rddreg [dreg:$0x2]  }
0x4: {  	s20 =	stileid.u32;
	s11 =	rddreg [dreg:$0x4];
	s4 =	simm.s32 $0x0  }
0x5: {  	s30 =	simm.s32 $0x1F1E0;
	s31 =	simm.s32 $0x1F1F0;
	s12 =	smul.u32 $0x278, s20  }
0x6: {  	s9 =	sand.u32 $0x1, s0;
	s3 =	smul.u32 $0x16380, s20;
	[smem:$0x7FF] =	sst s4  }
0x7: {  	p0 =	seq.s32 s20, $0xF;
	s10 =	smul.u32 $0x15F900, s9;
	s13 =	ssub.s32 $0x2, s9  }
0x8: {  	s9 =	sshll.u32 s9, $0x4;
	s12 =	sadd.s32 $0x50, s12;
	s6 =	sshrl.u32 s13, $0x1  }
0x9: {  	s17 =	sadd.s32 $0xB400, s3;
	s5 =	smul.u32 $0x90, s12;
	s7 =	sadd.s32 s3, s10  }
0xa: {  	s0 =	ssub.s32 s13, s6;
	s18 =	sadd.s32 s10, s17;
	s12 =	smul.u32 $0x240, s12  }
0xb: {  	s14 =	sshrl.u32 s7, $0x3;
	s19 =	sshrl.u32 s18, $0x3;
	s18 =	sadd.s32 $0x10E00, s3  }
0xc: {  	s0 =	smax.u32 s0, $0x1;
	s15 =	sadd.s32 s10, s5;
	s6 =	sadd.s32 s11, s14  }
0xd: {  	s25 =	sshrl.u32 s12, $0x2;
	[dreg:$0x7] =	wrdreg s6;
	s7 =	sshrl.u32 s15, $0x3  }
0xe: {  	s6 =	sadd.s32 $0x5A00, s3;
	s15 =	sadd.s32 s10, s18;
	s7 =	sadd.s32 s11, s7  }
0xf: {  	s13 =	sadd.s32 s10, s6;
	[dreg:$0x8] =	wrdreg s7;
	s7 =	sadd.s32 $0x8700, s3  }
0x10: {  	s22 =	sshrl.u32 s15, $0x3;
	s13 =	sshrl.u32 s13, $0x3;
	s14 =	sadd.s32 s10, s7  }
0x11: {  	s13 =	sadd.s32 s11, s13;
	s16 =	sshrl.u32 s14, $0x3;
	s14 =	sadd.s32 $0xE100, s3  }
0x12: {  	[dreg:$0x9] =	wrdreg s13;
	s13 =	sadd.s32 s11, s16;
	s21 =	sadd.s32 s10, s14  }
0x13: {  	s16 =	sadd.s32 $0xC00, s8;
	[dreg:$0xa] =	wrdreg s13;
	s13 =	sadd.s32 s11, s19  }
0x14: {  	s19 =	sadd.s32 $0x13B00, s3;
	[dreg:$0xb] =	wrdreg s13;
	s13 =	sshrl.u32 s21, $0x3  }
0x15: {  	s23 =	sadd.s32 s10, s19;
	s10 =	sshrl.u32 s10, $0x3;
	s13 =	sadd.s32 s11, s13  }
0x16: {  	s15 =	sshrl.u32 s23, $0x3;
	[dreg:$0xc] =	wrdreg s13;
	s13 =	sadd.s32 s11, s22  }
0x17: {  	s10 =	sadd.s32 s11, s10;
	s15 =	sadd.s32 s11, s15;
	[dreg:$0xd] =	wrdreg s13  }
0x18: {  	s11 =	smul.u32 $0x58E00, s20;
	s10 =	sadd.s32 $0x2BC50, s10;
	s13 =	rddreg [dreg:$0x5]  }
0x19: {  	[dreg:$0xe] =	wrdreg s15;
	s15 =	sadd.s32 $0x5C00, s8;
	s8 =	sor.u32 s20, s9  }
0x1a: {  	s20 =	simm.s32 $0x160D0;
	_ =	strace $0x80000047;
	s24 =	sshrl.u32 s11, $0x2  }
0x1b: {  	s26 =	sadd.s32 $0x16800, s11;
	s22 =	sadd.s32 $0x21C00, s11;
	s8 =	smul.u32 $0x2710, s8  }
0x1c: {  	s3 =	sadd.s32 s3, s13;
	s5 =	sadd.s32 s5, s13;
	s6 =	sadd.s32 s6, s13  }
0x1d: {  	s7 =	sadd.s32 s7, s13;
	s12 =	sadd.s32 s19, s13;
	[dreg:$0x19] =	wrdreg s10  }
0x1e: {  	[dreg:$0x1a] =	wrdreg s0;
	s10 =	sadd.s32 $0x15E280, s13;
	s19 =	simm.s32 $0x50  }
0x1f: {  	s9 =	sadd.s32 s24, s13;
	s21 =	sshrl.u32 s26, $0x2;
	s23 =	sshrl.u32 s22, $0x2  }
0x20: {  	s24 =	sadd.s32 $0x2D000, s11;
	s26 =	sadd.s32 $0x38400, s11;
	s22 =	sadd.s32 $0x43800, s11  }
0x21: {  	s11 =	sadd.s32 $0x4EC00, s11;
	[dreg:$0xf] =	wrdreg s9;
	s9 =	sadd.s32 s25, s13  }
0x22: {  	s11 =	sshrl.u32 s11, $0x2;
	[dreg:$0x10] =	wrdreg s9;
	s9 =	sadd.s32 s21, s13  }
0x23: {  	s25 =	sshrl.u32 s24, $0x2;
	s24 =	sadd.s32 s11, s13;
	[dreg:$0x11] =	wrdreg s9  }
0x24: {  	s28 =	sadd.s32 $0x50, s8;
	s9 =	sadd.s32 s23, s13;
	[dreg:$0x16] =	wrdreg s24  }
0x25: {  	s11 =	sadd.s32 s18, s13;
	s24 =	sshrl.u32 s7, $0x3;
	[dreg:$0x12] =	wrdreg s9  }
0x26: {  	s29 =	sadd.s32 $0xA0, s8;
	s0 =	sshrl.u32 @!p0 s11, $0x3;
	[dreg:$0x1e] =	wrdreg s24  }
0x27: {  	s23 =	sshrl.u32 s8, $0x3;
	s9 =	sadd.s32 s25, s13;
	[smem:$0x7FC] =	sst s0  }
0x28: {  	s21 =	sshrl.u32 s26, $0x2;
	s25 =	sadd.s32 s1, s23;
	[dreg:$0x13] =	wrdreg s9  }
0x29: {  	s18 =	simm.s32 $0x16030;
	s26 =	sadd.s32 s2, s23;
	[dreg:$0x17] =	wrdreg s25  }
0x2a: {  	s11 =	simm.s32 $0x2;
	s23 =	sshrl.u32 s6, $0x3;
	[dreg:$0x18] =	wrdreg s26  }
0x2b: {  	s0 =	sshrl.u32 @!p0 s12, $0x3;
	s12 =	simm.s32 $0x1C4D0;
	[dreg:$0x1d] =	wrdreg s23  }
0x2c: {  	s24 =	simm.s32 $0x16080;
	s9 =	sadd.s32 s21, s13;
	[smem:$0x7FD] =	sst s0  }
0x2d: {  	s21 =	sshrl.u32 s3, $0x3;
	s23 =	simm.s32 $0x15FE0;
	[dreg:$0x14] =	wrdreg s9  }
0x2e: {  	s9 =	sshrl.u32 s22, $0x2;
	[dreg:$0x1b] =	wrdreg s21;
	s22 =	sshrl.u32 s5, $0x3  }
0x2f: {  	s21 =	simm.s32 $0x1BAD0;
	s9 =	sadd.s32 s9, s13;
	[dreg:$0x1c] =	wrdreg s22  }
0x30: {  	s22 =	simm.s32 $0x1;
	[dreg:$0x15] =	wrdreg s9;
	s9 =	sadd.s32 s17, s13  }
0x31: {  	v0 =	vimm.f32 $0.0e+00;
	v1 =	vimm.s32 $0x8;
	v2 =	vimm.s32 $0x9;
	s17 =	sadd.s32 s14, s13;
	s14 =	simm.s32 $0x3;
	s25 =	sshrl.u32 s9, $0x3  }
0x32: {  	v3 =	vimm.s32 $0xA;
	v4 =	vimm.s32 $0xB;
	v5 =	vimm.s32 $0xC;
	s26 =	sshrl.u32 s17, $0x3;
	s17 =	simm.s32 $0x15F90;
	[dreg:$0x1f] =	wrdreg s25  }
0x33: {  	v6 =	vimm.s32 $0xD;
	v7 =	vimm.s32 $0xE;
	v8 =	vimm.s32 $0xF;
	[smem:$0x7FB] =	sst s26;
	s25 =	simm.s32 $0x18DD0;
	s26 =	simm.s32 $0x1BFD0  }
.LBB2_1:
0x34: {  	s0 =	simm.s32 $0x0;
	s3 =	simm.s32 $0x240  }
.LBB2_2:
0x35: {  	p1 =	sne.s32 s3, $0xB1C0;
	[tilespmem:s0+$0x1C550] =	vst v0  }
0x36: {  	[tilespmem:s0+$0x1C4D0] =	vst v0  }
0x37: {  	[tilespmem:s0+$0x1C4E0] =	vst v0  }
0x38: {  	[tilespmem:s0+$0x1C4F0] =	vst v0  }
.Ltmp0:
0x39: {  	[tilespmem:s0+$0x1C500] =	vst v0;
	(pc) =	sbr.rel @p1 .LBB2_2-.Ltmp0, $4  }
0x3a: {  	[tilespmem:s0+$0x1C510] =	vst v0  }
0x3b: {  	[tilespmem:s0+$0x1C520] =	vst v0  }
0x3c: {  	[tilespmem:s0+$0x1C530] =	vst v0  }
0x3d: {  	[tilespmem:s0+$0x1C540] =	vst v0;
	s0 =	sshra.s32 s3, $0x2;
	s3 =	sadd.s32 $0x240, s3  }
0x3e: {  	[tilespmem:s0+$0x1C550] =	vst v0  }
0x3f: {  	[tilespmem:s0+$0x1C4D0] =	vst v0  }
0x40: {  	[tilespmem:s0+$0x1C4E0] =	vst v0  }
0x41: {  	[tilespmem:s0+$0x1C4F0] =	vst v0  }
0x42: {  	[tilespmem:s0+$0x1C500] =	vst v0  }
0x43: {  	[tilespmem:s0+$0x1C510] =	vst v0  }
0x44: {  	[tilespmem:s0+$0x1C520] =	vst v0  }
0x45: {  	[tilespmem:s0+$0x1C530] =	vst v0  }
0x46: {  	[tilespmem:s0+$0x1C540] =	vst v0;
	s6 =	rddreg [dreg:$0xf]  }
0x47: {  	[spmem:s6] =	stream.linear.scatter [tilespmem:s12], [sflag:$0x3], $0x2D00, $0x38;
	[tilespmem:$0x1F200] =	vst v63  }
0x48: {  	_ =	swait.ge [sflag:s14], $0x2D00  }
0x49: {  	[sflag:s14] =	ssyncset.done $0x0  }
0x4a: {  	s7 =	rddreg [dreg:$0x10];
	[sflag:s14] =	ssyncadd.s32 $0xFFFFD300  }
0x4b: {  	[spmem:s7] =	stream.linear.scatter [tilespmem:s12], [sflag:$0x3], $0x2D00, $0x38;
	[tilespmem:$0x1F200] =	vst v63  }
0x4c: {  	_ =	swait.ge [sflag:s14], $0x2D00  }
0x4d: {  	[sflag:s14] =	ssyncset.done $0x0  }
0x4e: {  	s8 =	rddreg [dreg:$0x11];
	[sflag:s14] =	ssyncadd.s32 $0xFFFFD300  }
0x4f: {  	[spmem:s8] =	stream.linear.scatter [tilespmem:s12], [sflag:$0x3], $0x2D00, $0x38;
	[tilespmem:$0x1F200] =	vst v63  }
0x50: {  	_ =	swait.ge [sflag:s14], $0x2D00  }
0x51: {  	[sflag:s14] =	ssyncset.done $0x0  }
0x52: {  	s9 =	rddreg [dreg:$0x12];
	[sflag:s14] =	ssyncadd.s32 $0xFFFFD300  }
0x53: {  	[spmem:s9] =	stream.linear.scatter [tilespmem:s12], [sflag:$0x3], $0x2D00, $0x38;
	[tilespmem:$0x1F200] =	vst v63  }
0x54: {  	_ =	swait.ge [sflag:s14], $0x2D00  }
0x55: {  	[sflag:s14] =	ssyncset.done $0x0  }
0x56: {  	s3 =	rddreg [dreg:$0x13];
	[sflag:s14] =	ssyncadd.s32 $0xFFFFD300  }
0x57: {  	[spmem:s3] =	stream.linear.scatter [tilespmem:s12], [sflag:$0x3], $0x2D00, $0x38;
	[tilespmem:$0x1F200] =	vst v63  }
0x58: {  	_ =	swait.ge [sflag:s14], $0x2D00  }
0x59: {  	[sflag:s14] =	ssyncset.done $0x0  }
0x5a: {  	s5 =	rddreg [dreg:$0x14];
	[sflag:s14] =	ssyncadd.s32 $0xFFFFD300  }
0x5b: {  	[spmem:s5] =	stream.linear.scatter [tilespmem:s12], [sflag:$0x3], $0x2D00, $0x38;
	[tilespmem:$0x1F200] =	vst v63  }
0x5c: {  	_ =	swait.ge [sflag:s14], $0x2D00  }
0x5d: {  	[sflag:s14] =	ssyncset.done $0x0  }
0x5e: {  	s0 =	simm.s32 @p0 $0x1C4D0;
	[sflag:s14] =	ssyncadd.s32 $0xFFFFD300  }
0x5f: {  	[spmem:s10] =	stream.linear.scatter @p0 [tilespmem:s0], [sflag:$0x3], $0x1680, $0x38;
	[tilespmem:$0x1F200] =	vst v63  }
0x60: {  	s0 =	simm.s32 @p0 $0x3  }
0x61: {  	_ =	swait.ge @p0 [sflag:s0], $0x1680  }
0x62: {  	[sflag:s0] =	ssyncset.done @p0 $0x0  }
0x63: {  	s3 =	rddreg [dreg:$0x15];
	[sflag:s0] =	ssyncadd.s32 @p0 $0xFFFFE980;
	s0 =	simm.s32 @!p0 $0x1C4D0  }
0x64: {  	[spmem:s3] =	stream.linear.scatter @!p0 [tilespmem:s0], [sflag:$0x3], $0x2D00, $0x38;
	[tilespmem:$0x1F200] =	vst v63  }
0x65: {  	s3 =	simm.s32 @!p0 $0x3  }
0x66: {  	_ =	swait.ge @!p0 [sflag:s3], $0x2D00  }
0x67: {  	[sflag:s3] =	ssyncset.done @!p0 $0x0  }
0x68: {  	s5 =	rddreg [dreg:$0x16];
	[sflag:s3] =	ssyncadd.s32 @!p0 $0xFFFFD300  }
0x69: {  	[spmem:s5] =	stream.linear.scatter @!p0 [tilespmem:s0], [sflag:$0x3], $0x2D00, $0x38;
	[tilespmem:$0x1F200] =	vst v63  }
0x6a: {  	_ =	swait.ge @!p0 [sflag:s3], $0x2D00  }
0x6b: {  	[sflag:s3] =	ssyncset.done @!p0 $0x0  }
0x6c: {  	s6 =	rddreg [dreg:$0x17];
	[sflag:s3] =	ssyncadd.s32 @!p0 $0xFFFFD300;
	s3 =	simm.s32 $0x0  }
0x6d: {  	[tilespmem:s17], [sflag:$0x3] =	stream.linear.gather [hbm4b:s6+s3], $0x50, $0x38;
	[tilespmem:$0x1F200] =	vst v63  }
0x6e: {  	_ =	swait.ge [sflag:s14], $0x50  }
0x6f: {  	[sflag:s14] =	ssyncset.done $0x0  }
0x70: {  	s7 =	rddreg [dreg:$0x18];
	[sflag:s14] =	ssyncadd.s32 $0xFFFFFFB0  }
0x71: {  	[tilespmem:s18], [sflag:$0x3] =	stream.linear.gather [hbm4b:s7+s3], $0x50, $0x38;
	[tilespmem:$0x1F200] =	vst v63  }
0x72: {  	_ =	swait.ge [sflag:s14], $0x50  }
0x73: {  	[sflag:s14] =	ssyncset.done $0x0  }
0x74: {  	[sflag:s14] =	ssyncadd.s32 $0xFFFFFFB0  }
0x75: {  	[tilespmem:s20], [sflag:$0x1] =	stream.indirect.gather [hbm4b:s15+s19], $0x90, s17, s19, $0xb8;
	[tilespmem:$0x1F200] =	vst v63  }
0x76: {  	_ = 	snop  }
0x77: {  	[tilespmem:s21], [sflag:$0x1] =	stream.indirect.gather [hbm4b:s16+s19], $0x10, s18, s19, $0xb8;
	[tilespmem:$0x1F200] =	vst v63  }
0x78: {  	s9 =	simm.s32 $0x1F1D0;
	s8 =	rddreg [dreg:$0x3]  }
0x79: {  	[tilespmem:s9], [sflag:$0x3] =	stream.linear.gather [hbm4b:s8+s3], $0x10, $0x38;
	[tilespmem:$0x1F200] =	vst v63  }
0x7a: {  	_ =	swait.ge [sflag:s14], $0x10  }
0x7b: {  	[sflag:s14] =	ssyncset.done $0x0  }
0x7c: {  	[sflag:s14] =	ssyncadd.s32 $0xFFFFFFF0  }
0x7d: {  	[bflag:$0x0] =	sbarrier.arrive $0xFFFF  }
0x7e: {  	s0 =	simm.s32 $0x0;
	v9 =	vld [tilespmem:$0x1F1D0]  }
.LBB2_4:
0x7f: {  	_ =	swait.ge [sflag:s22], $0x2D00  }
0x80: {  	s5 =	smul.u32 $0xA0, s0;
	[sflag:s22] =	ssyncset.done $0x0  }
0x81: {  	[sflag:s22] =	ssyncadd.s32 $0xFFFFD300  }
0x82: {  	s6 =	sadd.s32 s5, s28;
	_ =	swait.ge [sflag:s22], $0x500  }
0x83: {  	s6 =	sshrl.u32 s6, $0x3;
	[sflag:s22] =	ssyncset.done $0x0  }
0x84: {  	s7 =	sadd.s32 s1, s6;
	[sflag:s22] =	ssyncadd.s32 $0xFFFFFB00  }
0x85: {  	[tilespmem:s23], [sflag:$0x3] =	stream.linear.gather [hbm4b:s7+s3], $0x50, $0x38;
	[tilespmem:$0x1F200] =	vst v63  }
0x86: {  	_ =	swait.ge [sflag:s14], $0x50  }
0x87: {  	[sflag:s14] =	ssyncset.done $0x0  }
0x88: {  	s6 =	sadd.s32 s2, s6;
	[sflag:s14] =	ssyncadd.s32 $0xFFFFFFB0  }
0x89: {  	[tilespmem:s24], [sflag:$0x3] =	stream.linear.gather [hbm4b:s6+s3], $0x50, $0x38;
	[tilespmem:$0x1F200] =	vst v63  }
0x8a: {  	_ =	swait.ge [sflag:s14], $0x50  }
0x8b: {  	[sflag:s14] =	ssyncset.done $0x0  }
0x8c: {  	[sflag:s14] =	ssyncadd.s32 $0xFFFFFFB0  }
0x8d: {  	[tilespmem:s25], [sflag:$0x2] =	stream.indirect.gather [hbm4b:s15+s19], $0x90, s23, s19, $0xb8;
	[tilespmem:$0x1F200] =	vst v63  }
0x8e: {  	s6 =	simm.s32 $0x0  }
0x8f: {  	[tilespmem:s26], [sflag:$0x2] =	stream.indirect.gather [hbm4b:s16+s19], $0x10, s24, s19, $0xb8;
	[tilespmem:$0x1F200] =	vst v63  }
0x90: {  	v10 =	vld [tilespmem:s6+$0x16150]  }
0x91: {  	s7 =	simm.s32 $0x1BAE0;
	v11 =	vld [tilespmem:s6+$0x161E0]  }
0x92: {  	v12 =	vld [tilespmem:s7+$0x0]  }
0x93: {  	v13 =	vld [tilespmem:s7+$0xFFFFFFF0];
	_ =	sdelay $0x3  }
0x94: {  	v11 =	vadd.f32 v12, v11  }
0x95: {  	v10 =	vadd.f32 v13, v10  }
0x96: {  	v12 =	vmul.f32 $2.000000030e-01, v11  }
0x97: {  	v13 =	vmul.f32 $2.000000030e-01, v10  }
0x98: {  	v11 =	vmax.f32 v11, v12  }
0x99: {  	v10 =	vmax.f32 v10, v13;
	v11 =	vsub.f32 v11, v9  }
0x9a: {  	v10 =	vsub.f32 v10, v9  }
0x9b: {  	v11 =	vmul.f32 $1.442695020e+00, v11  }
0x9c: {  	v10 =	vmul.f32 $1.442695020e+00, v10  }
0x9d: {  	(erf) = vpow2.f32 v11  }
0x9e: {  	(erf) = vpow2.f32 v10;
	_ =	sdelay $0x7  }
0x9f: {  	v10 =	vpop (erf)  }
0xa0: {  	[tilespmem:$0x1F1F0] =	vst v10;
	v11 =	vpop (erf)  }
0xa1: {  	[tilespmem:$0x1F1E0] =	vst v11  }
0xa2: {  	[tilespmem:s6+$0x1C550] =	vst v11;
	v11 =	vld [tilespmem:s6+$0x160D0]  }
0xa3: {  	[tilespmem:s6+$0x1C5E0] =	vst v10;
	v10 =	vld [tilespmem:s6+$0x16160]  }
0xa4: {  	v12 =	vld.idx.msk [tilespmem:v1+s30+$0x0], $0xffff  }
0xa5: {  	v13 =	vld.idx.msk [tilespmem:v1+s31+$0x0], $0xffff;
	_ =	sdelay $0x3  }
0xa6: {  	v11 =	vmul.f32 v11, v12  }
0xa7: {  	v10 =	vmul.f32 v10, v13  }
0xa8: {  	v14 =	vld [tilespmem:s6+$0x160E0];
	[tilespmem:s6+$0x1C4D0] =	vst v11  }
0xa9: {  	v15 =	vld [tilespmem:s6+$0x16170];
	[tilespmem:s6+$0x1C560] =	vst v10  }
0xaa: {  	v10 =	vld.idx.msk [tilespmem:v2+s30+$0x0], $0xffff  }
0xab: {  	v11 =	vld.idx.msk [tilespmem:v2+s31+$0x0], $0xffff;
	_ =	sdelay $0x3  }
0xac: {  	v14 =	vmul.f32 v14, v10  }
0xad: {  	v15 =	vmul.f32 v15, v11  }
0xae: {  	v16 =	vld [tilespmem:s6+$0x160F0];
	[tilespmem:s6+$0x1C4E0] =	vst v14  }
0xaf: {  	v17 =	vld [tilespmem:s6+$0x16180];
	[tilespmem:s6+$0x1C570] =	vst v15  }
0xb0: {  	v14 =	vld.idx.msk [tilespmem:v3+s30+$0x0], $0xffff  }
0xb1: {  	v15 =	vld.idx.msk [tilespmem:v3+s31+$0x0], $0xffff;
	_ =	sdelay $0x3  }
0xb2: {  	v14 =	vmul.f32 v16, v14  }
0xb3: {  	v15 =	vmul.f32 v17, v15  }
0xb4: {  	v18 =	vld [tilespmem:s6+$0x16100];
	[tilespmem:s6+$0x1C4F0] =	vst v14  }
0xb5: {  	v19 =	vld [tilespmem:s6+$0x16190];
	[tilespmem:s6+$0x1C580] =	vst v15  }
0xb6: {  	v14 =	vld.idx.msk [tilespmem:v4+s30+$0x0], $0xffff  }
0xb7: {  	v15 =	vld.idx.msk [tilespmem:v4+s31+$0x0], $0xffff;
	_ =	sdelay $0x3  }
0xb8: {  	v14 =	vmul.f32 v18, v14  }
0xb9: {  	v15 =	vmul.f32 v19, v15  }
0xba: {  	v20 =	vld [tilespmem:s6+$0x16110];
	[tilespmem:s6+$0x1C500] =	vst v14  }
0xbb: {  	v21 =	vld [tilespmem:s6+$0x161A0];
	[tilespmem:s6+$0x1C590] =	vst v15  }
0xbc: {  	v14 =	vld.idx.msk [tilespmem:v5+s30+$0x0], $0xffff  }
0xbd: {  	v15 =	vld.idx.msk [tilespmem:v5+s31+$0x0], $0xffff;
	_ =	sdelay $0x3  }
0xbe: {  	v14 =	vmul.f32 v20, v14  }
0xbf: {  	v15 =	vmul.f32 v21, v15  }
0xc0: {  	v22 =	vld [tilespmem:s6+$0x16120];
	[tilespmem:s6+$0x1C510] =	vst v14  }
0xc1: {  	v23 =	vld [tilespmem:s6+$0x161B0];
	[tilespmem:s6+$0x1C5A0] =	vst v15  }
0xc2: {  	v14 =	vld.idx.msk [tilespmem:v6+s30+$0x0], $0xffff  }
0xc3: {  	v15 =	vld.idx.msk [tilespmem:v6+s31+$0x0], $0xffff;
	_ =	sdelay $0x3  }
0xc4: {  	v12 =	vld [tilespmem:s6+$0x16130];
	v14 =	vmul.f32 v22, v14  }
0xc5: {  	v13 =	vld [tilespmem:s6+$0x161C0];
	v15 =	vmul.f32 v23, v15  }
0xc6: {  	v10 =	vld [tilespmem:s6+$0x16140];
	[tilespmem:s6+$0x1C520] =	vst v14  }
0xc7: {  	v11 =	vld [tilespmem:s6+$0x161D0];
	[tilespmem:s6+$0x1C5B0] =	vst v15  }
0xc8: {  	v14 =	vld.idx.msk [tilespmem:v7+s30+$0x0], $0xffff  }
0xc9: {  	s8 =	simm.s32 $0x480;
	v15 =	vld.idx.msk [tilespmem:v7+s31+$0x0], $0xffff  }
.LBB2_5:
0xca: {  	_ = 	snop  }
0xcb: {  	p1 =	sne.s32 s8, $0xAF80  }
0xcc: {  	s7 =	sadd.s32 $0x20, s7;
	s9 =	smov.u32 s8;
	s8 =	sadd.s32 $0x480, s8  }
0xcd: {  	v12 =	vmul.f32 v12, v14  }
0xce: {  	v13 =	vmul.f32 v13, v15  }
0xcf: {  	[tilespmem:s6+$0x1C530] =	vst v12  }
0xd0: {  	[tilespmem:s6+$0x1C5C0] =	vst v13  }
0xd1: {  	v12 =	vld.idx.msk [tilespmem:v8+s31+$0x0], $0xffff  }
0xd2: {  	v13 =	vld.idx.msk [tilespmem:v8+s30+$0x0], $0xffff;
	_ =	sdelay $0x3  }
0xd3: {  	s9 =	sshra.s32 s9, $0x2  }
0xd4: {  	v11 =	vmul.f32 v11, v12;
	v14 =	vld [tilespmem:s9+$0x16150]  }
0xd5: {  	v10 =	vmul.f32 v10, v13;
	v12 =	vld [tilespmem:s9+$0x161E0]  }
0xd6: {  	[tilespmem:s6+$0x1C5D0] =	vst v11  }
0xd7: {  	[tilespmem:s6+$0x1C540] =	vst v10;
	s6 =	smov.u32 s9  }
0xd8: {  	v10 =	vld [tilespmem:s7+$0x0]  }
0xd9: {  	v11 =	vld [tilespmem:s7+$0xFFFFFFF0];
	_ =	sdelay $0x3  }
0xda: {  	v10 =	vadd.f32 v10, v12  }
0xdb: {  	v11 =	vadd.f32 v11, v14  }
0xdc: {  	v12 =	vmul.f32 $2.000000030e-01, v10  }
0xdd: {  	v13 =	vmul.f32 $2.000000030e-01, v11  }
0xde: {  	v10 =	vmax.f32 v10, v12  }
0xdf: {  	v11 =	vmax.f32 v11, v13;
	v10 =	vsub.f32 v10, v9  }
0xe0: {  	v11 =	vsub.f32 v11, v9  }
0xe1: {  	v10 =	vmul.f32 $1.442695020e+00, v10  }
0xe2: {  	v11 =	vmul.f32 $1.442695020e+00, v11  }
0xe3: {  	(erf) = vpow2.f32 v10  }
0xe4: {  	(erf) = vpow2.f32 v11;
	_ =	sdelay $0x7  }
0xe5: {  	v10 =	vpop (erf)  }
0xe6: {  	[tilespmem:$0x1F1F0] =	vst v10;
	v11 =	vpop (erf)  }
0xe7: {  	[tilespmem:$0x1F1E0] =	vst v11  }
0xe8: {  	[tilespmem:s6+$0x1C550] =	vst v11;
	v11 =	vld [tilespmem:s6+$0x160D0]  }
0xe9: {  	[tilespmem:s6+$0x1C5E0] =	vst v10;
	v10 =	vld [tilespmem:s6+$0x16160]  }
0xea: {  	v12 =	vld.idx.msk [tilespmem:v1+s30+$0x0], $0xffff  }
0xeb: {  	v13 =	vld.idx.msk [tilespmem:v1+s31+$0x0], $0xffff  }
0xec: {  	v14 =	vld [tilespmem:s6+$0x160E0]  }
0xed: {  	v15 =	vld [tilespmem:s6+$0x16170]  }
0xee: {  	v16 =	vld [tilespmem:s6+$0x160F0]  }
0xef: {  	v17 =	vld [tilespmem:s6+$0x16180]  }
0xf0: {  	v11 =	vmul.f32 v11, v12;
	v18 =	vld [tilespmem:s6+$0x16100]  }
0xf1: {  	v10 =	vmul.f32 v10, v13;
	v19 =	vld [tilespmem:s6+$0x16190]  }
0xf2: {  	[tilespmem:s6+$0x1C4D0] =	vst v11;
	v20 =	vld [tilespmem:s6+$0x16110]  }
0xf3: {  	[tilespmem:s6+$0x1C560] =	vst v10;
	v21 =	vld [tilespmem:s6+$0x161A0]  }
0xf4: {  	v10 =	vld.idx.msk [tilespmem:v2+s30+$0x0], $0xffff  }
0xf5: {  	v11 =	vld.idx.msk [tilespmem:v2+s31+$0x0], $0xffff  }
0xf6: {  	v22 =	vld [tilespmem:s6+$0x16120]  }
0xf7: {  	v23 =	vld [tilespmem:s6+$0x161B0]  }
0xf8: {  	v12 =	vld [tilespmem:s6+$0x16130]  }
0xf9: {  	v13 =	vld [tilespmem:s6+$0x161C0]  }
0xfa: {  	v14 =	vmul.f32 v14, v10;
	v10 =	vld [tilespmem:s6+$0x16140]  }
0xfb: {  	v15 =	vmul.f32 v15, v11;
	v11 =	vld [tilespmem:s6+$0x161D0]  }
0xfc: {  	[tilespmem:s6+$0x1C4E0] =	vst v14  }
0xfd: {  	[tilespmem:s6+$0x1C570] =	vst v15  }
0xfe: {  	v14 =	vld.idx.msk [tilespmem:v3+s30+$0x0], $0xffff  }
0xff: {  	v15 =	vld.idx.msk [tilespmem:v3+s31+$0x0], $0xffff;
	_ =	sdelay $0x4  }
0x100: {  	v14 =	vmul.f32 v16, v14  }
0x101: {  	v15 =	vmul.f32 v17, v15  }
0x102: {  	[tilespmem:s6+$0x1C4F0] =	vst v14  }
0x103: {  	[tilespmem:s6+$0x1C580] =	vst v15  }
0x104: {  	v14 =	vld.idx.msk [tilespmem:v4+s30+$0x0], $0xffff  }
0x105: {  	v15 =	vld.idx.msk [tilespmem:v4+s31+$0x0], $0xffff;
	_ =	sdelay $0x4  }
0x106: {  	v14 =	vmul.f32 v18, v14  }
0x107: {  	v15 =	vmul.f32 v19, v15  }
0x108: {  	[tilespmem:s6+$0x1C500] =	vst v14  }
0x109: {  	[tilespmem:s6+$0x1C590] =	vst v15  }
0x10a: {  	v14 =	vld.idx.msk [tilespmem:v5+s30+$0x0], $0xffff  }
0x10b: {  	v15 =	vld.idx.msk [tilespmem:v5+s31+$0x0], $0xffff;
	_ =	sdelay $0x4  }
0x10c: {  	v14 =	vmul.f32 v20, v14  }
0x10d: {  	v15 =	vmul.f32 v21, v15  }
0x10e: {  	[tilespmem:s6+$0x1C510] =	vst v14  }
0x10f: {  	[tilespmem:s6+$0x1C5A0] =	vst v15  }
0x110: {  	v14 =	vld.idx.msk [tilespmem:v6+s30+$0x0], $0xffff  }
0x111: {  	v15 =	vld.idx.msk [tilespmem:v6+s31+$0x0], $0xffff;
	_ =	sdelay $0x4  }
0x112: {  	v14 =	vmul.f32 v22, v14  }
.Ltmp1:
0x113: {  	v15 =	vmul.f32 v23, v15;
	(pc) =	sbr.rel @p1 .LBB2_5-.Ltmp1, $4  }
0x114: {  	[tilespmem:s6+$0x1C520] =	vst v14  }
0x115: {  	[tilespmem:s6+$0x1C5B0] =	vst v15  }
0x116: {  	v14 =	vld.idx.msk [tilespmem:v7+s30+$0x0], $0xffff  }
0x117: {  	v15 =	vld.idx.msk [tilespmem:v7+s31+$0x0], $0xffff  }
0x118: {  	_ =	sdelay $0x2  }
0x119: {  	v12 =	vmul.f32 v12, v14  }
0x11a: {  	v13 =	vmul.f32 v13, v15  }
0x11b: {  	[tilespmem:s6+$0x1C530] =	vst v12  }
0x11c: {  	[tilespmem:s6+$0x1C5C0] =	vst v13  }
0x11d: {  	v12 =	vld.idx.msk [tilespmem:v8+s31+$0x0], $0xffff  }
0x11e: {  	v13 =	vld.idx.msk [tilespmem:v8+s30+$0x0], $0xffff;
	_ =	sdelay $0x3  }
0x11f: {  	v11 =	vmul.f32 v11, v12  }
0x120: {  	v10 =	vmul.f32 v10, v13  }
0x121: {  	[tilespmem:s6+$0x1C5D0] =	vst v11  }
0x122: {  	[tilespmem:s6+$0x1C540] =	vst v10  }
0x123: {  	[spmem:s13] =	stream.indirect.scatter.add.f32 [tilespmem:s12], [sflag:$0x3], $0x90, s18, s19, $0xb8;
	[tilespmem:$0x1F200] =	vst v63  }
0x124: {  	_ =	swait.ge [sflag:s14], $0x2D00  }
0x125: {  	[sflag:s14] =	ssyncset.done $0x0  }
0x126: {  	[sflag:s14] =	ssyncadd.s32 $0xFFFFD300  }
0x127: {  	_ =	swait.ge [sflag:s11], $0x2D00  }
0x128: {  	[sflag:s11] =	ssyncset.done $0x0  }
0x129: {  	[sflag:s11] =	ssyncadd.s32 $0xFFFFD300  }
0x12a: {  	s5 =	sadd.s32 s5, s29;
	_ =	swait.ge [sflag:s11], $0x500  }
0x12b: {  	s5 =	sshrl.u32 s5, $0x3;
	[sflag:s11] =	ssyncset.done $0x0  }
0x12c: {  	s7 =	simm.s32 $0x0;
	s9 =	sadd.s32 s1, s5;
	[sflag:s11] =	ssyncadd.s32 $0xFFFFFB00  }
0x12d: {  	[tilespmem:s17], [sflag:$0x3] =	stream.linear.gather [hbm4b:s9+s7], $0x50, $0x38;
	[tilespmem:$0x1F200] =	vst v63  }
0x12e: {  	_ =	swait.ge [sflag:s14], $0x50  }
0x12f: {  	[sflag:s14] =	ssyncset.done $0x0  }
0x130: {  	s5 =	sadd.s32 s2, s5;
	[sflag:s14] =	ssyncadd.s32 $0xFFFFFFB0  }
0x131: {  	[tilespmem:s18], [sflag:$0x3] =	stream.linear.gather [hbm4b:s5+s7], $0x50, $0x38;
	[tilespmem:$0x1F200] =	vst v63  }
0x132: {  	_ =	swait.ge [sflag:s14], $0x50  }
0x133: {  	[sflag:s14] =	ssyncset.done $0x0  }
0x134: {  	[sflag:s14] =	ssyncadd.s32 $0xFFFFFFB0  }
0x135: {  	[tilespmem:s20], [sflag:$0x1] =	stream.indirect.gather [hbm4b:s15+s19], $0x90, s17, s19, $0xb8;
	[tilespmem:$0x1F200] =	vst v63  }
0x136: {  	s5 =	simm.s32 $0x0  }
0x137: {  	[tilespmem:s21], [sflag:$0x1] =	stream.indirect.gather [hbm4b:s16+s19], $0x10, s18, s19, $0xb8;
	[tilespmem:$0x1F200] =	vst v63  }
0x138: {  	v10 =	vld [tilespmem:s5+$0x18E50]  }
0x139: {  	s6 =	simm.s32 $0x1BFE0;
	v11 =	vld [tilespmem:s5+$0x18EE0]  }
0x13a: {  	v12 =	vld [tilespmem:s6+$0x0]  }
0x13b: {  	v13 =	vld [tilespmem:s6+$0xFFFFFFF0];
	_ =	sdelay $0x3  }
0x13c: {  	v11 =	vadd.f32 v12, v11  }
0x13d: {  	v10 =	vadd.f32 v13, v10  }
0x13e: {  	v12 =	vmul.f32 $2.000000030e-01, v11  }
0x13f: {  	v13 =	vmul.f32 $2.000000030e-01, v10  }
0x140: {  	v11 =	vmax.f32 v11, v12  }
0x141: {  	v10 =	vmax.f32 v10, v13;
	v11 =	vsub.f32 v11, v9  }
0x142: {  	v10 =	vsub.f32 v10, v9  }
0x143: {  	v11 =	vmul.f32 $1.442695020e+00, v11  }
0x144: {  	v10 =	vmul.f32 $1.442695020e+00, v10  }
0x145: {  	(erf) = vpow2.f32 v11  }
0x146: {  	(erf) = vpow2.f32 v10;
	_ =	sdelay $0x7  }
0x147: {  	v10 =	vpop (erf)  }
0x148: {  	[tilespmem:$0x1F1F0] =	vst v10;
	v11 =	vpop (erf)  }
0x149: {  	[tilespmem:$0x1F1E0] =	vst v11  }
0x14a: {  	[tilespmem:s5+$0x1C550] =	vst v11;
	v11 =	vld [tilespmem:s5+$0x18DD0]  }
0x14b: {  	[tilespmem:s5+$0x1C5E0] =	vst v10;
	v10 =	vld [tilespmem:s5+$0x18E60]  }
0x14c: {  	v12 =	vld.idx.msk [tilespmem:v1+s30+$0x0], $0xffff  }
0x14d: {  	v13 =	vld.idx.msk [tilespmem:v1+s31+$0x0], $0xffff;
	_ =	sdelay $0x3  }
0x14e: {  	v11 =	vmul.f32 v11, v12  }
0x14f: {  	v10 =	vmul.f32 v10, v13  }
0x150: {  	v14 =	vld [tilespmem:s5+$0x18DE0];
	[tilespmem:s5+$0x1C4D0] =	vst v11  }
0x151: {  	v15 =	vld [tilespmem:s5+$0x18E70];
	[tilespmem:s5+$0x1C560] =	vst v10  }
0x152: {  	v10 =	vld.idx.msk [tilespmem:v2+s30+$0x0], $0xffff  }
0x153: {  	v11 =	vld.idx.msk [tilespmem:v2+s31+$0x0], $0xffff;
	_ =	sdelay $0x3  }
0x154: {  	v14 =	vmul.f32 v14, v10  }
0x155: {  	v15 =	vmul.f32 v15, v11  }
0x156: {  	v16 =	vld [tilespmem:s5+$0x18DF0];
	[tilespmem:s5+$0x1C4E0] =	vst v14  }
0x157: {  	v17 =	vld [tilespmem:s5+$0x18E80];
	[tilespmem:s5+$0x1C570] =	vst v15  }
0x158: {  	v14 =	vld.idx.msk [tilespmem:v3+s30+$0x0], $0xffff  }
0x159: {  	v15 =	vld.idx.msk [tilespmem:v3+s31+$0x0], $0xffff;
	_ =	sdelay $0x3  }
0x15a: {  	v14 =	vmul.f32 v16, v14  }
0x15b: {  	v15 =	vmul.f32 v17, v15  }
0x15c: {  	v18 =	vld [tilespmem:s5+$0x18E00];
	[tilespmem:s5+$0x1C4F0] =	vst v14  }
0x15d: {  	v19 =	vld [tilespmem:s5+$0x18E90];
	[tilespmem:s5+$0x1C580] =	vst v15  }
0x15e: {  	v14 =	vld.idx.msk [tilespmem:v4+s30+$0x0], $0xffff  }
0x15f: {  	v15 =	vld.idx.msk [tilespmem:v4+s31+$0x0], $0xffff;
	_ =	sdelay $0x3  }
0x160: {  	v14 =	vmul.f32 v18, v14  }
0x161: {  	v15 =	vmul.f32 v19, v15  }
0x162: {  	v20 =	vld [tilespmem:s5+$0x18E10];
	[tilespmem:s5+$0x1C500] =	vst v14  }
0x163: {  	v21 =	vld [tilespmem:s5+$0x18EA0];
	[tilespmem:s5+$0x1C590] =	vst v15  }
0x164: {  	v14 =	vld.idx.msk [tilespmem:v5+s30+$0x0], $0xffff  }
0x165: {  	v15 =	vld.idx.msk [tilespmem:v5+s31+$0x0], $0xffff;
	_ =	sdelay $0x3  }
0x166: {  	v14 =	vmul.f32 v20, v14  }
0x167: {  	v15 =	vmul.f32 v21, v15  }
0x168: {  	v22 =	vld [tilespmem:s5+$0x18E20];
	[tilespmem:s5+$0x1C510] =	vst v14  }
0x169: {  	v23 =	vld [tilespmem:s5+$0x18EB0];
	[tilespmem:s5+$0x1C5A0] =	vst v15  }
0x16a: {  	v14 =	vld.idx.msk [tilespmem:v6+s30+$0x0], $0xffff  }
0x16b: {  	v15 =	vld.idx.msk [tilespmem:v6+s31+$0x0], $0xffff;
	_ =	sdelay $0x3  }
0x16c: {  	v12 =	vld [tilespmem:s5+$0x18E30];
	v14 =	vmul.f32 v22, v14  }
0x16d: {  	v13 =	vld [tilespmem:s5+$0x18EC0];
	v15 =	vmul.f32 v23, v15  }
0x16e: {  	v10 =	vld [tilespmem:s5+$0x18E40];
	[tilespmem:s5+$0x1C520] =	vst v14  }
0x16f: {  	v11 =	vld [tilespmem:s5+$0x18ED0];
	[tilespmem:s5+$0x1C5B0] =	vst v15  }
0x170: {  	v14 =	vld.idx.msk [tilespmem:v7+s30+$0x0], $0xffff  }
0x171: {  	s7 =	simm.s32 $0x480;
	v15 =	vld.idx.msk [tilespmem:v7+s31+$0x0], $0xffff  }
.LBB2_7:
0x172: {  	_ = 	snop  }
0x173: {  	p1 =	sne.s32 s7, $0xAF80  }
0x174: {  	s6 =	sadd.s32 $0x20, s6;
	s8 =	smov.u32 s7;
	s7 =	sadd.s32 $0x480, s7  }
0x175: {  	v12 =	vmul.f32 v12, v14  }
0x176: {  	v13 =	vmul.f32 v13, v15  }
0x177: {  	[tilespmem:s5+$0x1C530] =	vst v12  }
0x178: {  	[tilespmem:s5+$0x1C5C0] =	vst v13  }
0x179: {  	v12 =	vld.idx.msk [tilespmem:v8+s31+$0x0], $0xffff  }
0x17a: {  	v13 =	vld.idx.msk [tilespmem:v8+s30+$0x0], $0xffff;
	_ =	sdelay $0x3  }
0x17b: {  	s8 =	sshra.s32 s8, $0x2  }
0x17c: {  	v11 =	vmul.f32 v11, v12;
	v14 =	vld [tilespmem:s8+$0x18E50]  }
0x17d: {  	v10 =	vmul.f32 v10, v13;
	v12 =	vld [tilespmem:s8+$0x18EE0]  }
0x17e: {  	[tilespmem:s5+$0x1C5D0] =	vst v11  }
0x17f: {  	[tilespmem:s5+$0x1C540] =	vst v10;
	s5 =	smov.u32 s8  }
0x180: {  	v10 =	vld [tilespmem:s6+$0x0]  }
0x181: {  	v11 =	vld [tilespmem:s6+$0xFFFFFFF0];
	_ =	sdelay $0x3  }
0x182: {  	v10 =	vadd.f32 v10, v12  }
0x183: {  	v11 =	vadd.f32 v11, v14  }
0x184: {  	v12 =	vmul.f32 $2.000000030e-01, v10  }
0x185: {  	v13 =	vmul.f32 $2.000000030e-01, v11  }
0x186: {  	v10 =	vmax.f32 v10, v12  }
0x187: {  	v11 =	vmax.f32 v11, v13;
	v10 =	vsub.f32 v10, v9  }
0x188: {  	v11 =	vsub.f32 v11, v9  }
0x189: {  	v10 =	vmul.f32 $1.442695020e+00, v10  }
0x18a: {  	v11 =	vmul.f32 $1.442695020e+00, v11  }
0x18b: {  	(erf) = vpow2.f32 v10  }
0x18c: {  	(erf) = vpow2.f32 v11;
	_ =	sdelay $0x7  }
0x18d: {  	v10 =	vpop (erf)  }
0x18e: {  	[tilespmem:$0x1F1F0] =	vst v10;
	v11 =	vpop (erf)  }
0x18f: {  	[tilespmem:$0x1F1E0] =	vst v11  }
0x190: {  	[tilespmem:s5+$0x1C550] =	vst v11;
	v11 =	vld [tilespmem:s5+$0x18DD0]  }
0x191: {  	[tilespmem:s5+$0x1C5E0] =	vst v10;
	v10 =	vld [tilespmem:s5+$0x18E60]  }
0x192: {  	v12 =	vld.idx.msk [tilespmem:v1+s30+$0x0], $0xffff  }
0x193: {  	v13 =	vld.idx.msk [tilespmem:v1+s31+$0x0], $0xffff  }
0x194: {  	v14 =	vld [tilespmem:s5+$0x18DE0]  }
0x195: {  	v15 =	vld [tilespmem:s5+$0x18E70]  }
0x196: {  	v16 =	vld [tilespmem:s5+$0x18DF0]  }
0x197: {  	v17 =	vld [tilespmem:s5+$0x18E80]  }
0x198: {  	v11 =	vmul.f32 v11, v12;
	v18 =	vld [tilespmem:s5+$0x18E00]  }
0x199: {  	v10 =	vmul.f32 v10, v13;
	v19 =	vld [tilespmem:s5+$0x18E90]  }
0x19a: {  	[tilespmem:s5+$0x1C4D0] =	vst v11;
	v20 =	vld [tilespmem:s5+$0x18E10]  }
0x19b: {  	[tilespmem:s5+$0x1C560] =	vst v10;
	v21 =	vld [tilespmem:s5+$0x18EA0]  }
0x19c: {  	v10 =	vld.idx.msk [tilespmem:v2+s30+$0x0], $0xffff  }
0x19d: {  	v11 =	vld.idx.msk [tilespmem:v2+s31+$0x0], $0xffff  }
0x19e: {  	v22 =	vld [tilespmem:s5+$0x18E20]  }
0x19f: {  	v23 =	vld [tilespmem:s5+$0x18EB0]  }
0x1a0: {  	v12 =	vld [tilespmem:s5+$0x18E30]  }
0x1a1: {  	v13 =	vld [tilespmem:s5+$0x18EC0]  }
0x1a2: {  	v14 =	vmul.f32 v14, v10;
	v10 =	vld [tilespmem:s5+$0x18E40]  }
0x1a3: {  	v15 =	vmul.f32 v15, v11;
	v11 =	vld [tilespmem:s5+$0x18ED0]  }
0x1a4: {  	[tilespmem:s5+$0x1C4E0] =	vst v14  }
0x1a5: {  	[tilespmem:s5+$0x1C570] =	vst v15  }
0x1a6: {  	v14 =	vld.idx.msk [tilespmem:v3+s30+$0x0], $0xffff  }
0x1a7: {  	v15 =	vld.idx.msk [tilespmem:v3+s31+$0x0], $0xffff;
	_ =	sdelay $0x4  }
0x1a8: {  	v14 =	vmul.f32 v16, v14  }
0x1a9: {  	v15 =	vmul.f32 v17, v15  }
0x1aa: {  	[tilespmem:s5+$0x1C4F0] =	vst v14  }
0x1ab: {  	[tilespmem:s5+$0x1C580] =	vst v15  }
0x1ac: {  	v14 =	vld.idx.msk [tilespmem:v4+s30+$0x0], $0xffff  }
0x1ad: {  	v15 =	vld.idx.msk [tilespmem:v4+s31+$0x0], $0xffff;
	_ =	sdelay $0x4  }
0x1ae: {  	v14 =	vmul.f32 v18, v14  }
0x1af: {  	v15 =	vmul.f32 v19, v15  }
0x1b0: {  	[tilespmem:s5+$0x1C500] =	vst v14  }
0x1b1: {  	[tilespmem:s5+$0x1C590] =	vst v15  }
0x1b2: {  	v14 =	vld.idx.msk [tilespmem:v5+s30+$0x0], $0xffff  }
0x1b3: {  	v15 =	vld.idx.msk [tilespmem:v5+s31+$0x0], $0xffff;
	_ =	sdelay $0x4  }
0x1b4: {  	v14 =	vmul.f32 v20, v14  }
0x1b5: {  	v15 =	vmul.f32 v21, v15  }
0x1b6: {  	[tilespmem:s5+$0x1C510] =	vst v14  }
0x1b7: {  	[tilespmem:s5+$0x1C5A0] =	vst v15  }
0x1b8: {  	v14 =	vld.idx.msk [tilespmem:v6+s30+$0x0], $0xffff  }
0x1b9: {  	v15 =	vld.idx.msk [tilespmem:v6+s31+$0x0], $0xffff;
	_ =	sdelay $0x4  }
0x1ba: {  	v14 =	vmul.f32 v22, v14  }
.Ltmp2:
0x1bb: {  	v15 =	vmul.f32 v23, v15;
	(pc) =	sbr.rel @p1 .LBB2_7-.Ltmp2, $4  }
0x1bc: {  	[tilespmem:s5+$0x1C520] =	vst v14  }
0x1bd: {  	[tilespmem:s5+$0x1C5B0] =	vst v15  }
0x1be: {  	v14 =	vld.idx.msk [tilespmem:v7+s30+$0x0], $0xffff  }
0x1bf: {  	v15 =	vld.idx.msk [tilespmem:v7+s31+$0x0], $0xffff  }
0x1c0: {  	_ =	sdelay $0x2  }
0x1c1: {  	v12 =	vmul.f32 v12, v14  }
0x1c2: {  	v13 =	vmul.f32 v13, v15  }
0x1c3: {  	[tilespmem:s5+$0x1C530] =	vst v12  }
0x1c4: {  	[tilespmem:s5+$0x1C5C0] =	vst v13  }
0x1c5: {  	v12 =	vld.idx.msk [tilespmem:v8+s31+$0x0], $0xffff  }
0x1c6: {  	v13 =	vld.idx.msk [tilespmem:v8+s30+$0x0], $0xffff;
	_ =	sdelay $0x3  }
0x1c7: {  	v11 =	vmul.f32 v11, v12  }
0x1c8: {  	s0 =	sadd.s32 $0x1, s0;
	v10 =	vmul.f32 v10, v13  }
0x1c9: {  	p1 =	sne.s32 s0, $0x3E;
	[tilespmem:s5+$0x1C5D0] =	vst v11  }
.Ltmp3:
0x1ca: {  	[tilespmem:s5+$0x1C540] =	vst v10;
	(pc) =	sbr.rel @p1 .LBB2_4-.Ltmp3, $4  }
0x1cb: {  	[spmem:s13] =	stream.indirect.scatter.add.f32 [tilespmem:s12], [sflag:$0x3], $0x90, s24, s19, $0xb8;
	[tilespmem:$0x1F200] =	vst v63  }
0x1cc: {  	_ =	swait.ge [sflag:s14], $0x2D00  }
0x1cd: {  	[sflag:s14] =	ssyncset.done $0x0  }
0x1ce: {  	[sflag:s14] =	ssyncadd.s32 $0xFFFFD300  }
0x1cf: {  	_ =	swait.ge [sflag:s22], $0x2D00  }
0x1d0: {  	[sflag:s22] =	ssyncset.done $0x0  }
0x1d1: {  	[sflag:s22] =	ssyncadd.s32 $0xFFFFD300  }
0x1d2: {  	_ =	swait.ge [sflag:s22], $0x500  }
0x1d3: {  	[sflag:s22] =	ssyncset.done $0x0  }
0x1d4: {  	s0 =	simm.s32 $0x0;
	[sflag:s22] =	ssyncadd.s32 $0xFFFFFB00  }
0x1d5: {  	v10 =	vld [tilespmem:s0+$0x16150]  }
0x1d6: {  	s3 =	simm.s32 $0x1BAE0;
	v11 =	vld [tilespmem:s0+$0x161E0]  }
0x1d7: {  	v12 =	vld [tilespmem:s3+$0x0]  }
0x1d8: {  	v13 =	vld [tilespmem:s3+$0xFFFFFFF0];
	_ =	sdelay $0x3  }
0x1d9: {  	v11 =	vadd.f32 v12, v11  }
0x1da: {  	v10 =	vadd.f32 v13, v10  }
0x1db: {  	v12 =	vmul.f32 $2.000000030e-01, v11  }
0x1dc: {  	v13 =	vmul.f32 $2.000000030e-01, v10  }
0x1dd: {  	v11 =	vmax.f32 v11, v12  }
0x1de: {  	v10 =	vmax.f32 v10, v13;
	v11 =	vsub.f32 v11, v9  }
0x1df: {  	v10 =	vsub.f32 v10, v9  }
0x1e0: {  	v11 =	vmul.f32 $1.442695020e+00, v11  }
0x1e1: {  	v10 =	vmul.f32 $1.442695020e+00, v10  }
0x1e2: {  	(erf) = vpow2.f32 v11  }
0x1e3: {  	(erf) = vpow2.f32 v10;
	_ =	sdelay $0x7  }
0x1e4: {  	v10 =	vpop (erf)  }
0x1e5: {  	[tilespmem:$0x1F1F0] =	vst v10;
	v11 =	vpop (erf)  }
0x1e6: {  	[tilespmem:$0x1F1E0] =	vst v11  }
0x1e7: {  	[tilespmem:s0+$0x1C550] =	vst v11;
	v11 =	vld [tilespmem:s0+$0x160D0]  }
0x1e8: {  	[tilespmem:s0+$0x1C5E0] =	vst v10;
	v10 =	vld [tilespmem:s0+$0x16160]  }
0x1e9: {  	v12 =	vld.idx.msk [tilespmem:v1+s30+$0x0], $0xffff  }
0x1ea: {  	v13 =	vld.idx.msk [tilespmem:v1+s31+$0x0], $0xffff;
	_ =	sdelay $0x3  }
0x1eb: {  	v11 =	vmul.f32 v11, v12  }
0x1ec: {  	v10 =	vmul.f32 v10, v13  }
0x1ed: {  	v14 =	vld [tilespmem:s0+$0x160E0];
	[tilespmem:s0+$0x1C4D0] =	vst v11  }
0x1ee: {  	v15 =	vld [tilespmem:s0+$0x16170];
	[tilespmem:s0+$0x1C560] =	vst v10  }
0x1ef: {  	v10 =	vld.idx.msk [tilespmem:v2+s30+$0x0], $0xffff  }
0x1f0: {  	v11 =	vld.idx.msk [tilespmem:v2+s31+$0x0], $0xffff;
	_ =	sdelay $0x3  }
0x1f1: {  	v14 =	vmul.f32 v14, v10  }
0x1f2: {  	v15 =	vmul.f32 v15, v11  }
0x1f3: {  	v16 =	vld [tilespmem:s0+$0x160F0];
	[tilespmem:s0+$0x1C4E0] =	vst v14  }
0x1f4: {  	v17 =	vld [tilespmem:s0+$0x16180];
	[tilespmem:s0+$0x1C570] =	vst v15  }
0x1f5: {  	v14 =	vld.idx.msk [tilespmem:v3+s30+$0x0], $0xffff  }
0x1f6: {  	v15 =	vld.idx.msk [tilespmem:v3+s31+$0x0], $0xffff;
	_ =	sdelay $0x3  }
0x1f7: {  	v14 =	vmul.f32 v16, v14  }
0x1f8: {  	v15 =	vmul.f32 v17, v15  }
0x1f9: {  	v18 =	vld [tilespmem:s0+$0x16100];
	[tilespmem:s0+$0x1C4F0] =	vst v14  }
0x1fa: {  	v19 =	vld [tilespmem:s0+$0x16190];
	[tilespmem:s0+$0x1C580] =	vst v15  }
0x1fb: {  	v14 =	vld.idx.msk [tilespmem:v4+s30+$0x0], $0xffff  }
0x1fc: {  	v15 =	vld.idx.msk [tilespmem:v4+s31+$0x0], $0xffff;
	_ =	sdelay $0x3  }
0x1fd: {  	v14 =	vmul.f32 v18, v14  }
0x1fe: {  	v15 =	vmul.f32 v19, v15  }
0x1ff: {  	v20 =	vld [tilespmem:s0+$0x16110];
	[tilespmem:s0+$0x1C500] =	vst v14  }
0x200: {  	v21 =	vld [tilespmem:s0+$0x161A0];
	[tilespmem:s0+$0x1C590] =	vst v15  }
0x201: {  	v14 =	vld.idx.msk [tilespmem:v5+s30+$0x0], $0xffff  }
0x202: {  	v15 =	vld.idx.msk [tilespmem:v5+s31+$0x0], $0xffff;
	_ =	sdelay $0x3  }
0x203: {  	v14 =	vmul.f32 v20, v14  }
0x204: {  	v15 =	vmul.f32 v21, v15  }
0x205: {  	v22 =	vld [tilespmem:s0+$0x16120];
	[tilespmem:s0+$0x1C510] =	vst v14  }
0x206: {  	v23 =	vld [tilespmem:s0+$0x161B0];
	[tilespmem:s0+$0x1C5A0] =	vst v15  }
0x207: {  	v14 =	vld.idx.msk [tilespmem:v6+s30+$0x0], $0xffff  }
0x208: {  	v15 =	vld.idx.msk [tilespmem:v6+s31+$0x0], $0xffff;
	_ =	sdelay $0x3  }
0x209: {  	v12 =	vld [tilespmem:s0+$0x16130];
	v14 =	vmul.f32 v22, v14  }
0x20a: {  	v13 =	vld [tilespmem:s0+$0x161C0];
	v15 =	vmul.f32 v23, v15  }
0x20b: {  	v10 =	vld [tilespmem:s0+$0x16140];
	[tilespmem:s0+$0x1C520] =	vst v14  }
0x20c: {  	v11 =	vld [tilespmem:s0+$0x161D0];
	[tilespmem:s0+$0x1C5B0] =	vst v15  }
0x20d: {  	v14 =	vld.idx.msk [tilespmem:v7+s30+$0x0], $0xffff  }
0x20e: {  	s5 =	simm.s32 $0x480;
	v15 =	vld.idx.msk [tilespmem:v7+s31+$0x0], $0xffff  }
.LBB2_10:
0x20f: {  	_ = 	snop  }
0x210: {  	p1 =	sne.s32 s5, $0xAF80  }
0x211: {  	s3 =	sadd.s32 $0x20, s3;
	s6 =	smov.u32 s5;
	s5 =	sadd.s32 $0x480, s5  }
0x212: {  	v12 =	vmul.f32 v12, v14  }
0x213: {  	v13 =	vmul.f32 v13, v15  }
0x214: {  	[tilespmem:s0+$0x1C530] =	vst v12  }
0x215: {  	[tilespmem:s0+$0x1C5C0] =	vst v13  }
0x216: {  	v12 =	vld.idx.msk [tilespmem:v8+s31+$0x0], $0xffff  }
0x217: {  	v13 =	vld.idx.msk [tilespmem:v8+s30+$0x0], $0xffff;
	_ =	sdelay $0x3  }
0x218: {  	s6 =	sshra.s32 s6, $0x2  }
0x219: {  	v11 =	vmul.f32 v11, v12;
	v14 =	vld [tilespmem:s6+$0x16150]  }
0x21a: {  	v10 =	vmul.f32 v10, v13;
	v12 =	vld [tilespmem:s6+$0x161E0]  }
0x21b: {  	[tilespmem:s0+$0x1C5D0] =	vst v11  }
0x21c: {  	[tilespmem:s0+$0x1C540] =	vst v10;
	s0 =	smov.u32 s6  }
0x21d: {  	v10 =	vld [tilespmem:s3+$0x0]  }
0x21e: {  	v11 =	vld [tilespmem:s3+$0xFFFFFFF0];
	_ =	sdelay $0x3  }
0x21f: {  	v10 =	vadd.f32 v10, v12  }
0x220: {  	v11 =	vadd.f32 v11, v14  }
0x221: {  	v12 =	vmul.f32 $2.000000030e-01, v10  }
0x222: {  	v13 =	vmul.f32 $2.000000030e-01, v11  }
0x223: {  	v10 =	vmax.f32 v10, v12  }
0x224: {  	v11 =	vmax.f32 v11, v13;
	v10 =	vsub.f32 v10, v9  }
0x225: {  	v11 =	vsub.f32 v11, v9  }
0x226: {  	v10 =	vmul.f32 $1.442695020e+00, v10  }
0x227: {  	v11 =	vmul.f32 $1.442695020e+00, v11  }
0x228: {  	(erf) = vpow2.f32 v10  }
0x229: {  	(erf) = vpow2.f32 v11;
	_ =	sdelay $0x7  }
0x22a: {  	v10 =	vpop (erf)  }
0x22b: {  	[tilespmem:$0x1F1F0] =	vst v10;
	v11 =	vpop (erf)  }
0x22c: {  	[tilespmem:$0x1F1E0] =	vst v11  }
0x22d: {  	[tilespmem:s0+$0x1C550] =	vst v11;
	v11 =	vld [tilespmem:s0+$0x160D0]  }
0x22e: {  	[tilespmem:s0+$0x1C5E0] =	vst v10;
	v10 =	vld [tilespmem:s0+$0x16160]  }
0x22f: {  	v12 =	vld.idx.msk [tilespmem:v1+s30+$0x0], $0xffff  }
0x230: {  	v13 =	vld.idx.msk [tilespmem:v1+s31+$0x0], $0xffff  }
0x231: {  	v14 =	vld [tilespmem:s0+$0x160E0]  }
0x232: {  	v15 =	vld [tilespmem:s0+$0x16170]  }
0x233: {  	v16 =	vld [tilespmem:s0+$0x160F0]  }
0x234: {  	v17 =	vld [tilespmem:s0+$0x16180]  }
0x235: {  	v11 =	vmul.f32 v11, v12;
	v18 =	vld [tilespmem:s0+$0x16100]  }
0x236: {  	v10 =	vmul.f32 v10, v13;
	v19 =	vld [tilespmem:s0+$0x16190]  }
0x237: {  	[tilespmem:s0+$0x1C4D0] =	vst v11;
	v20 =	vld [tilespmem:s0+$0x16110]  }
0x238: {  	[tilespmem:s0+$0x1C560] =	vst v10;
	v21 =	vld [tilespmem:s0+$0x161A0]  }
0x239: {  	v10 =	vld.idx.msk [tilespmem:v2+s30+$0x0], $0xffff  }
0x23a: {  	v11 =	vld.idx.msk [tilespmem:v2+s31+$0x0], $0xffff  }
0x23b: {  	v22 =	vld [tilespmem:s0+$0x16120]  }
0x23c: {  	v23 =	vld [tilespmem:s0+$0x161B0]  }
0x23d: {  	v12 =	vld [tilespmem:s0+$0x16130]  }
0x23e: {  	v13 =	vld [tilespmem:s0+$0x161C0]  }
0x23f: {  	v14 =	vmul.f32 v14, v10;
	v10 =	vld [tilespmem:s0+$0x16140]  }
0x240: {  	v15 =	vmul.f32 v15, v11;
	v11 =	vld [tilespmem:s0+$0x161D0]  }
0x241: {  	[tilespmem:s0+$0x1C4E0] =	vst v14  }
0x242: {  	[tilespmem:s0+$0x1C570] =	vst v15  }
0x243: {  	v14 =	vld.idx.msk [tilespmem:v3+s30+$0x0], $0xffff  }
0x244: {  	v15 =	vld.idx.msk [tilespmem:v3+s31+$0x0], $0xffff;
	_ =	sdelay $0x4  }
0x245: {  	v14 =	vmul.f32 v16, v14  }
0x246: {  	v15 =	vmul.f32 v17, v15  }
0x247: {  	[tilespmem:s0+$0x1C4F0] =	vst v14  }
0x248: {  	[tilespmem:s0+$0x1C580] =	vst v15  }
0x249: {  	v14 =	vld.idx.msk [tilespmem:v4+s30+$0x0], $0xffff  }
0x24a: {  	v15 =	vld.idx.msk [tilespmem:v4+s31+$0x0], $0xffff;
	_ =	sdelay $0x4  }
0x24b: {  	v14 =	vmul.f32 v18, v14  }
0x24c: {  	v15 =	vmul.f32 v19, v15  }
0x24d: {  	[tilespmem:s0+$0x1C500] =	vst v14  }
0x24e: {  	[tilespmem:s0+$0x1C590] =	vst v15  }
0x24f: {  	v14 =	vld.idx.msk [tilespmem:v5+s30+$0x0], $0xffff  }
0x250: {  	v15 =	vld.idx.msk [tilespmem:v5+s31+$0x0], $0xffff;
	_ =	sdelay $0x4  }
0x251: {  	v14 =	vmul.f32 v20, v14  }
0x252: {  	v15 =	vmul.f32 v21, v15  }
0x253: {  	[tilespmem:s0+$0x1C510] =	vst v14  }
0x254: {  	[tilespmem:s0+$0x1C5A0] =	vst v15  }
0x255: {  	v14 =	vld.idx.msk [tilespmem:v6+s30+$0x0], $0xffff  }
0x256: {  	v15 =	vld.idx.msk [tilespmem:v6+s31+$0x0], $0xffff;
	_ =	sdelay $0x4  }
0x257: {  	v14 =	vmul.f32 v22, v14  }
.Ltmp4:
0x258: {  	v15 =	vmul.f32 v23, v15;
	(pc) =	sbr.rel @p1 .LBB2_10-.Ltmp4, $4  }
0x259: {  	[tilespmem:s0+$0x1C520] =	vst v14  }
0x25a: {  	[tilespmem:s0+$0x1C5B0] =	vst v15  }
0x25b: {  	v14 =	vld.idx.msk [tilespmem:v7+s30+$0x0], $0xffff  }
0x25c: {  	v15 =	vld.idx.msk [tilespmem:v7+s31+$0x0], $0xffff  }
0x25d: {  	_ =	sdelay $0x2  }
0x25e: {  	v9 =	vmul.f32 v12, v14  }
0x25f: {  	v63 =	vmul.f32 v13, v15  }
0x260: {  	[tilespmem:s0+$0x1C530] =	vst v9  }
0x261: {  	[tilespmem:s0+$0x1C5C0] =	vst v63  }
0x262: {  	v9 =	vld.idx.msk [tilespmem:v8+s31+$0x0], $0xffff  }
0x263: {  	v12 =	vld.idx.msk [tilespmem:v8+s30+$0x0], $0xffff;
	_ =	sdelay $0x3  }
0x264: {  	v9 =	vmul.f32 v11, v9  }
0x265: {  	v10 =	vmul.f32 v10, v12  }
0x266: {  	[tilespmem:s0+$0x1C5D0] =	vst v9  }
0x267: {  	[tilespmem:s0+$0x1C540] =	vst v10  }
0x268: {  	[spmem:s13] =	stream.indirect.scatter.add.f32 [tilespmem:s12], [sflag:$0x3], $0x90, s18, s19, $0xb8;
	[tilespmem:$0x1F200] =	vst v63  }
0x269: {  	_ =	swait.ge [sflag:s14], $0x2D00  }
0x26a: {  	[sflag:s14] =	ssyncset.done $0x0  }
0x26b: {  	[sflag:s14] =	ssyncadd.s32 $0xFFFFD300  }
0x26c: {  	s7 =	stileid.u32;
	[bflag:$0x0] =	sbarrier.arrive $0xFFFF  }
0x26d: {  	s0 =	sshll.u32 s7, $0x6;
	s3 =	rddreg [dreg:$0x7]  }
0x26e: {  	s0 =	sor.u32 $0x1C03, s0;
	s5 =	rddreg [dreg:$0x1b]  }
0x26f: {  	[hbm:s3], [sflag:s0] =	dma.local [spmem:s5], $0x5A0  }
0x270: {  	_ =	swait.ge [sflag:s14], $0x5A0  }
0x271: {  	[sflag:s14] =	ssyncset.done $0x0;
	s8 =	rddreg [dreg:$0x8]  }
0x272: {  	s9 =	rddreg [dreg:$0x1c];
	[sflag:s14] =	ssyncadd.s32 $0xFFFFFA60  }
0x273: {  	[hbm:s8], [sflag:s0] =	dma.local [spmem:s9], $0x5A0  }
0x274: {  	_ =	swait.ge [sflag:s14], $0x5A0  }
0x275: {  	[sflag:s14] =	ssyncset.done $0x0;
	s6 =	rddreg [dreg:$0x9]  }
0x276: {  	s7 =	rddreg [dreg:$0x1d];
	[sflag:s14] =	ssyncadd.s32 $0xFFFFFA60  }
0x277: {  	[hbm:s6], [sflag:s0] =	dma.local [spmem:s7], $0x5A0  }
0x278: {  	_ =	swait.ge [sflag:s14], $0x5A0  }
0x279: {  	[sflag:s14] =	ssyncset.done $0x0;
	s8 =	rddreg [dreg:$0xa]  }
0x27a: {  	s9 =	rddreg [dreg:$0x1e];
	[sflag:s14] =	ssyncadd.s32 $0xFFFFFA60  }
0x27b: {  	[hbm:s8], [sflag:s0] =	dma.local [spmem:s9], $0x5A0  }
0x27c: {  	_ =	swait.ge [sflag:s14], $0x5A0  }
0x27d: {  	[sflag:s14] =	ssyncset.done $0x0;
	s5 =	rddreg [dreg:$0xb]  }
0x27e: {  	s6 =	rddreg [dreg:$0x1f];
	[sflag:s14] =	ssyncadd.s32 $0xFFFFFA60  }
0x27f: {  	[hbm:s5], [sflag:s0] =	dma.local [spmem:s6], $0x5A0  }
0x280: {  	_ =	swait.ge [sflag:s14], $0x5A0  }
0x281: {  	s8 =	sld [smem:$0x7FB]  }
0x282: {  	[sflag:s14] =	ssyncset.done $0x0  }
0x283: {  	s7 =	rddreg [dreg:$0xc];
	[sflag:s14] =	ssyncadd.s32 $0xFFFFFA60  }
0x284: {  	[hbm:s7], [sflag:s0] =	dma.local [spmem:s8], $0x5A0  }
0x285: {  	_ =	swait.ge [sflag:s14], $0x5A0  }
0x286: {  	[sflag:s14] =	ssyncset.done $0x0  }
0x287: {  	s3 =	sshrl.u32 @p0 s10, $0x3;
	s5 =	rddreg [dreg:$0x19];
	[sflag:s14] =	ssyncadd.s32 $0xFFFFFA60  }
0x288: {  	[hbm:s5], [sflag:s0] =	dma.local @p0 [spmem:s3], $0x2D0  }
0x289: {  	s3 =	simm.s32 @p0 $0x3  }
0x28a: {  	_ =	swait.ge @p0 [sflag:s3], $0x2D0  }
0x28b: {  	s5 =	sld [smem:$0x7FC]  }
0x28c: {  	[sflag:s3] =	ssyncset.done @p0 $0x0  }
0x28d: {  	[sflag:s3] =	ssyncadd.s32 @p0 $0xFFFFFD30;
	s3 =	rddreg [dreg:$0xd]  }
0x28e: {  	[hbm:s3], [sflag:s0] =	dma.local @!p0 [spmem:s5], $0x5A0  }
0x28f: {  	s3 =	simm.s32 @!p0 $0x3  }
0x290: {  	_ =	swait.ge @!p0 [sflag:s3], $0x5A0  }
0x291: {  	s6 =	sld [smem:$0x7FD]  }
0x292: {  	[sflag:s3] =	ssyncset.done @!p0 $0x0  }
0x293: {  	s5 =	rddreg [dreg:$0xe];
	[sflag:s3] =	ssyncadd.s32 @!p0 $0xFFFFFA60  }
0x294: {  	[hbm:s5], [sflag:s0] =	dma.local @!p0 [spmem:s6], $0x5A0  }
0x295: {  	_ =	swait.ge @!p0 [sflag:s3], $0x5A0  }
0x296: {  	s4 =	sadd.s32 $0x1, s4;
	s9 =	rddreg [dreg:$0x1a]  }
0x297: {  	p1 =	sne.s32 s4, s9  }
.Ltmp5:
0x298: {  	_ = 	snop;
	(pc) =	sbr.rel @p1 .LBB2_1-.Ltmp5, $3  }
0x299: {  	_ =	sdelay $0x1  }
0x29a: {  	[sflag:s3] =	ssyncset.done @!p0 $0x0  }
0x29b: {  	[sflag:s3] =	ssyncadd.s32 @!p0 $0xFFFFFA60  }
0x29c: {  	_ =	sfence.sel $0x180000  }
0x29d: {  	[bflag:$0x0] =	sbarrier.arrive $0xFFFF  }
0x29e: {  	_ =	strace $0x90000047  }
0x29f: {  	s0 =	stileid.u32;
	[bflag:$0x2] =	sbarrier.arrive $0xFFFF  }
0x2a0: {  	p0 =	sne.s32 s0, $0x0;
	s0 =	rddreg [dreg:$0x6]  }
0x2a1: {  	s0 =	sadd.s32 @!p0 $0x100000, s0  }
0x2a2: {  	[sflag:s0] =	ssyncadd.tile.s32 @!p0 $0x1;
	_ =	shalt  }
.Lfunc_end2:
_tile_overlayer_lowered:
.L_overlay_start_2:
0x2a3: {  	(tag) =	ssettag $0x2  }
0x2a4: {  	s0 =	rddreg [dreg:$0x0];
	s2 =	stileid.u32  }
0x2a5: {  	s1 =	rddreg [dreg:$0x1];
	p0 =	sne.s32 s2, $0x0  }
0x2a6: {  	s3 =	rddreg [dreg:$0x2];
	[bflag:$0x3] =	sbarrier.arrive $0xFFFF;
	s2 =	simm.s32 @!p0 $0x1C03  }
0x2a7: {  	[timem:s3], [sflag:s2] =	dma.local @!p0 [hbm:s0], s1  }
0x2a8: {  	s0 =	simm.s32 @!p0 $0x3  }
0x2a9: {  	_ =	swait.ge @!p0 [sflag:s0], s1  }
0x2aa: {  	s1 =	ssub.s32 @!p0 $0x0, s1;
	[sflag:s0] =	ssyncset.done @!p0 $0x0  }
0x2ab: {  	[sflag:s0] =	ssyncadd.s32 @!p0 s1  }
0x2ac: {  	[bflag:$0x3] =	sbarrier.arrive $0xFFFF  }
0x2ad: {  	_ =	shalt  }

</sc_bundles>
